<compile_context>
chip_gen: v7x
topology: tpu7x:2x2x1
jax: 0.10.2.dev20260603
libtpu: 0.0.44.dev20260713+nightly
codegen_flags: <defaults>
</compile_context>

<pallas_src>
import functools

import jax
import jax.numpy as jnp
from jax import lax
from jax.experimental import pallas as pl
from jax.experimental.pallas import tpu as pltpu
from jax.experimental.pallas import tpu_sc as plsc

V = 1000000
D = 64
B = 4096
H = 200
NW = 32
SCALE = 8.0
G = 4

_mesh = plsc.VectorSubcoreMesh(core_axis_name="c", subcore_axis_name="s")


def _iota16():
    return lax.iota(jnp.int32, 16)


@functools.partial(
    pl.kernel,
    out_type=jax.ShapeDtypeStruct((H, 8, 32, 8, 128), jnp.float32),
    mesh=_mesh,
    compiler_params=pltpu.CompilerParams(
        use_tc_tiling_on_sc=False, needs_layout_passes=False),
    scratch_types=[
        pltpu.VMEM((H, 128), jnp.int32),
        pltpu.VMEM((G, 128, D), jnp.float32),
        pltpu.VMEM((G, 8, 8, 136), jnp.float32),
        pltpu.SemaphoreType.DMA((G,)),
        pltpu.SemaphoreType.DMA((G,)),
    ],
)
def _hgather(xt_hbm, table_hbm, out_hbm, idx_v, gbuf, obuf, gsem, osem):
    wid = lax.axis_index("s") * 2 + lax.axis_index("c")
    pltpu.sync_copy(xt_hbm.at[:, pl.ds(wid * 128, 128)], idx_v)

    for g in range(G):
        pltpu.async_copy(table_hbm.at[idx_v.at[g]], gbuf.at[g], gsem.at[g])

    dts, dds = [], []
    for c in range(4):
        dvec = c * 16 + _iota16()
        dts.append(lax.shift_right_logical(dvec, 3))
        dds.append(lax.bitwise_and(dvec, 7))

    def outer(ii, carry):
        for g in range(G):
            h = ii * G + g
            pltpu.make_async_copy(
                table_hbm.at[idx_v.at[h]], gbuf.at[g], gsem.at[g]).wait()

            @pl.when(ii > 0)
            def _():
                pltpu.make_async_copy(
                    obuf.at[g, :, :, pl.ds(0, 128)],
                    out_hbm.at[0, pl.ds(0, 8), 0], osem.at[g]).wait()

            def rstep(r, c2):
                rv = jnp.broadcast_to(r, (16,))
                for c in range(4):
                    vals = gbuf[g, r, pl.ds(c * 16, 16)]
                    plsc.store_scatter(
                        obuf.at[g], [dts[c], dds[c], rv], vals * SCALE)
                return c2

            lax.fori_loop(0, 128, rstep, 0)

            pltpu.async_copy(
                obuf.at[g, :, :, pl.ds(0, 128)],
                out_hbm.at[h, pl.ds(0, 8), wid], osem.at[g])

            @pl.when(h + G < H)
            def _():
                pltpu.async_copy(
                    table_hbm.at[idx_v.at[h + G]], gbuf.at[g], gsem.at[g])
        return carry

    lax.fori_loop(0, H // G, outer, 0)

    for g in range(G):
        pltpu.make_async_copy(
            obuf.at[g, :, :, pl.ds(0, 128)],
            out_hbm.at[0, pl.ds(0, 8), 0], osem.at[g]).wait()


def kernel(x, table):
    xt = x.T
    op = _hgather(xt, table)
    return op.transpose(2, 4, 0, 1, 3).reshape(B, H, D)

# --- scband reference (transcript-rebuilt; emitter-appended) ---
"""Pipeline reference for scband-embeddings-23665269801499 (READ-ONLY COPY).

The authoritative reference and input builder live on the scoring server;
editing this copy changes nothing except your own understanding.
"""

import jax, jax.numpy as jnp
import numpy as np
import math

VOCAB = 1000000
D_MODEL = 64
BATCH = 4096
HIST = 200

def setup_inputs(seed: int = 0) -> dict:
    key = jax.random.key(seed)
    k1, k2 = jax.random.split(key)
    x = jax.random.randint(k1, (BATCH, HIST), 0, VOCAB, dtype=jnp.int64 if jax.config.jax_enable_x64 else jnp.int32)
    table = jax.random.normal(k2, (VOCAB, D_MODEL), dtype=jnp.float32)
    return {"x": x, "table": table}

def reference(x, table):
    # Embeddings.forward: lut(x) * sqrt(d_model)
    emb = jnp.take(table, x, axis=0)
    return emb * math.sqrt(D_MODEL)

if __name__ == "__main__":
    import jax
    _d = setup_inputs()
    print(jax.jit(kernel)(*tuple(_d.values())))

</pallas_src>

<mosaic_0001>
#map = affine_map<(d0, d1) -> (0, 0)>
#map1 = affine_map<(d0, d1) -> (0, 0, 0, 0, 0)>
module attributes {stable_mosaic.version = 14 : i64} {
  func.func @_hgather(%arg0: i32, %arg1: i32, %arg2: memref<200x4096xi32, #tpu.memory_space<hbm>>, %arg3: memref<1000000x64xf32, #tpu.memory_space<hbm>>, %arg4: memref<200x8x32x8x128xf32, #tpu.memory_space<hbm>>, %arg5: memref<200x128xi32, #tpu.memory_space<vmem>>, %arg6: memref<4x128x64xf32, #tpu.memory_space<vmem>>, %arg7: memref<4x8x8x136xf32, #tpu.memory_space<vmem>>, %arg8: memref<4x!tpu.dma_semaphore, #tpu.memory_space<semaphore_mem>>, %arg9: memref<4x!tpu.dma_semaphore, #tpu.memory_space<semaphore_mem>>) attributes {dimension_semantics = [#tpu.dimension_semantics<core_parallel>, #tpu.dimension_semantics<subcore_parallel>], iteration_bounds = array<i64: 2, 16>, scalar_prefetch = 0 : i64, scratch_operands = 5 : i64, tpu.core_type = #tpu.core_type<sc_vector_subcore>, window_params = [{transform_indices = #map}, {transform_indices = #map}, {transform_indices = #map1}]} {
    %mul3A = arith.constant 2 : i32
    %mul3A_0 = arith.muli %arg1, %mul3A : i32
    %add3A = arith.addi %mul3A_0, %arg0 : i32
    %mul3A_1 = arith.constant 128 : i32
    %mul3A_2 = arith.muli %add3A, %mul3A_1 : i32
    "tpu.region"() ({
      %run_scoped3A = tpu.sem_alloc : memref<!tpu.dma_semaphore, #tpu.memory_space<semaphore_mem>>
      %dma_start3A_207 = arith.constant 0 : i32
      %dma_start3A_208 = tpu.memref_slice %arg2[%dma_start3A_207, %mul3A_2] : memref<200x4096xi32, #tpu.memory_space<hbm>> -> memref<200x128xi32, #tpu.memory_space<hbm>>
      %dma_start3A_209 = arith.constant 0 : i32
      %dma_start3A_210 = tpu.memref_slice %arg2[%dma_start3A_209, %mul3A_2] : memref<200x4096xi32, #tpu.memory_space<hbm>> -> memref<200x128xi32, #tpu.memory_space<hbm>>
      tpu.enqueue_dma source(%dma_start3A_210 : memref<200x128xi32, #tpu.memory_space<hbm>>) target(%arg5 : memref<200x128xi32, #tpu.memory_space<vmem>>) target_semaphore(%run_scoped3A : memref<!tpu.dma_semaphore, #tpu.memory_space<semaphore_mem>>)
      %dma_wait3A_211 = arith.constant 0 : i32
      %dma_wait3A_212 = tpu.memref_slice %arg2[%dma_wait3A_211, %mul3A_2] : memref<200x4096xi32, #tpu.memory_space<hbm>> -> memref<200x128xi32, #tpu.memory_space<hbm>>
      %dma_wait3A_213 = arith.constant 0 : i32
      %dma_wait3A_214 = tpu.memref_slice %arg2[%dma_wait3A_213, %mul3A_2] : memref<200x4096xi32, #tpu.memory_space<hbm>> -> memref<200x128xi32, #tpu.memory_space<hbm>>
      tpu.wait_dma2 semaphore(%run_scoped3A : memref<!tpu.dma_semaphore, #tpu.memory_space<semaphore_mem>>) src(%dma_wait3A_214 : memref<200x128xi32, #tpu.memory_space<hbm>>) dst(%arg5 : memref<200x128xi32, #tpu.memory_space<vmem>>)
      tpu.yield
    }) : () -> ()
    %dma_start3A = arith.constant 0 : i32
    %dma_start3A_3 = arith.constant 0 : i32
    %dma_start3A_4 = arith.constant 0 : i32
    %dma_start3A_5 = arith.constant 0 : i32
    %dma_start3A_6 = arith.constant 0 : i32
    %dma_start3A_7 = tpu.memref_slice %arg6[%dma_start3A_3, %dma_start3A_5, %dma_start3A_6] : memref<4x128x64xf32, #tpu.memory_space<vmem>> -> memref<1x128x64xf32, #tpu.memory_space<vmem>>
    %dma_start3A_8 = tpu.memref_squeeze %dma_start3A_7 : memref<1x128x64xf32, #tpu.memory_space<vmem>> -> memref<128x64xf32, #tpu.memory_space<vmem>>
    %dma_start3A_9 = arith.constant 0 : i32
    %dma_start3A_10 = tpu.memref_slice %arg5[%dma_start3A, %dma_start3A_9] : memref<200x128xi32, #tpu.memory_space<vmem>> -> memref<1x128xi32, #tpu.memory_space<vmem>>
    %dma_start3A_11 = tpu.memref_squeeze %dma_start3A_10 : memref<1x128xi32, #tpu.memory_space<vmem>> -> memref<128xi32, #tpu.memory_space<vmem>>
    %dma_start3A_12 = arith.constant 0 : i32
    %dma_start3A_13 = arith.constant 0 : i32
    %dma_start3A_14 = tpu.memref_slice %arg3[%dma_start3A_12, %dma_start3A_13] : memref<1000000x64xf32, #tpu.memory_space<hbm>> -> memref<1000000x64xf32, #tpu.memory_space<hbm>>
    %dma_start3A_15 = tpu.memref_slice %arg8[%dma_start3A_4] : memref<4x!tpu.dma_semaphore, #tpu.memory_space<semaphore_mem>> -> memref<1x!tpu.dma_semaphore, #tpu.memory_space<semaphore_mem>>
    %dma_start3A_16 = tpu.memref_squeeze %dma_start3A_15 : memref<1x!tpu.dma_semaphore, #tpu.memory_space<semaphore_mem>> -> memref<!tpu.dma_semaphore, #tpu.memory_space<semaphore_mem>>
    tpu.enqueue_indirect_dma source(%dma_start3A_14 : memref<1000000x64xf32, #tpu.memory_space<hbm>>) target(%dma_start3A_8 : memref<128x64xf32, #tpu.memory_space<vmem>>) offsets(%dma_start3A_11 : memref<128xi32, #tpu.memory_space<vmem>>) semaphore(%dma_start3A_16 : memref<!tpu.dma_semaphore, #tpu.memory_space<semaphore_mem>>)
    %dma_start3A_17 = arith.constant 1 : i32
    %dma_start3A_18 = arith.constant 1 : i32
    %dma_start3A_19 = arith.constant 1 : i32
    %dma_start3A_20 = arith.constant 0 : i32
    %dma_start3A_21 = arith.constant 0 : i32
    %dma_start3A_22 = tpu.memref_slice %arg6[%dma_start3A_18, %dma_start3A_20, %dma_start3A_21] : memref<4x128x64xf32, #tpu.memory_space<vmem>> -> memref<1x128x64xf32, #tpu.memory_space<vmem>>
    %dma_start3A_23 = tpu.memref_squeeze %dma_start3A_22 : memref<1x128x64xf32, #tpu.memory_space<vmem>> -> memref<128x64xf32, #tpu.memory_space<vmem>>
    %dma_start3A_24 = arith.constant 0 : i32
    %dma_start3A_25 = tpu.memref_slice %arg5[%dma_start3A_17, %dma_start3A_24] : memref<200x128xi32, #tpu.memory_space<vmem>> -> memref<1x128xi32, #tpu.memory_space<vmem>>
    %dma_start3A_26 = tpu.memref_squeeze %dma_start3A_25 : memref<1x128xi32, #tpu.memory_space<vmem>> -> memref<128xi32, #tpu.memory_space<vmem>>
    %dma_start3A_27 = arith.constant 0 : i32
    %dma_start3A_28 = arith.constant 0 : i32
    %dma_start3A_29 = tpu.memref_slice %arg3[%dma_start3A_27, %dma_start3A_28] : memref<1000000x64xf32, #tpu.memory_space<hbm>> -> memref<1000000x64xf32, #tpu.memory_space<hbm>>
    %dma_start3A_30 = tpu.memref_slice %arg8[%dma_start3A_19] : memref<4x!tpu.dma_semaphore, #tpu.memory_space<semaphore_mem>> -> memref<1x!tpu.dma_semaphore, #tpu.memory_space<semaphore_mem>>
    %dma_start3A_31 = tpu.memref_squeeze %dma_start3A_30 : memref<1x!tpu.dma_semaphore, #tpu.memory_space<semaphore_mem>> -> memref<!tpu.dma_semaphore, #tpu.memory_space<semaphore_mem>>
    tpu.enqueue_indirect_dma source(%dma_start3A_29 : memref<1000000x64xf32, #tpu.memory_space<hbm>>) target(%dma_start3A_23 : memref<128x64xf32, #tpu.memory_space<vmem>>) offsets(%dma_start3A_26 : memref<128xi32, #tpu.memory_space<vmem>>) semaphore(%dma_start3A_31 : memref<!tpu.dma_semaphore, #tpu.memory_space<semaphore_mem>>)
    %dma_start3A_32 = arith.constant 2 : i32
    %dma_start3A_33 = arith.constant 2 : i32
    %dma_start3A_34 = arith.constant 2 : i32
    %dma_start3A_35 = arith.constant 0 : i32
    %dma_start3A_36 = arith.constant 0 : i32
    %dma_start3A_37 = tpu.memref_slice %arg6[%dma_start3A_33, %dma_start3A_35, %dma_start3A_36] : memref<4x128x64xf32, #tpu.memory_space<vmem>> -> memref<1x128x64xf32, #tpu.memory_space<vmem>>
    %dma_start3A_38 = tpu.memref_squeeze %dma_start3A_37 : memref<1x128x64xf32, #tpu.memory_space<vmem>> -> memref<128x64xf32, #tpu.memory_space<vmem>>
    %dma_start3A_39 = arith.constant 0 : i32
    %dma_start3A_40 = tpu.memref_slice %arg5[%dma_start3A_32, %dma_start3A_39] : memref<200x128xi32, #tpu.memory_space<vmem>> -> memref<1x128xi32, #tpu.memory_space<vmem>>
    %dma_start3A_41 = tpu.memref_squeeze %dma_start3A_40 : memref<1x128xi32, #tpu.memory_space<vmem>> -> memref<128xi32, #tpu.memory_space<vmem>>
    %dma_start3A_42 = arith.constant 0 : i32
    %dma_start3A_43 = arith.constant 0 : i32
    %dma_start3A_44 = tpu.memref_slice %arg3[%dma_start3A_42, %dma_start3A_43] : memref<1000000x64xf32, #tpu.memory_space<hbm>> -> memref<1000000x64xf32, #tpu.memory_space<hbm>>
    %dma_start3A_45 = tpu.memref_slice %arg8[%dma_start3A_34] : memref<4x!tpu.dma_semaphore, #tpu.memory_space<semaphore_mem>> -> memref<1x!tpu.dma_semaphore, #tpu.memory_space<semaphore_mem>>
    %dma_start3A_46 = tpu.memref_squeeze %dma_start3A_45 : memref<1x!tpu.dma_semaphore, #tpu.memory_space<semaphore_mem>> -> memref<!tpu.dma_semaphore, #tpu.memory_space<semaphore_mem>>
    tpu.enqueue_indirect_dma source(%dma_start3A_44 : memref<1000000x64xf32, #tpu.memory_space<hbm>>) target(%dma_start3A_38 : memref<128x64xf32, #tpu.memory_space<vmem>>) offsets(%dma_start3A_41 : memref<128xi32, #tpu.memory_space<vmem>>) semaphore(%dma_start3A_46 : memref<!tpu.dma_semaphore, #tpu.memory_space<semaphore_mem>>)
    %dma_start3A_47 = arith.constant 3 : i32
    %dma_start3A_48 = arith.constant 3 : i32
    %dma_start3A_49 = arith.constant 3 : i32
    %dma_start3A_50 = arith.constant 0 : i32
    %dma_start3A_51 = arith.constant 0 : i32
    %dma_start3A_52 = tpu.memref_slice %arg6[%dma_start3A_48, %dma_start3A_50, %dma_start3A_51] : memref<4x128x64xf32, #tpu.memory_space<vmem>> -> memref<1x128x64xf32, #tpu.memory_space<vmem>>
    %dma_start3A_53 = tpu.memref_squeeze %dma_start3A_52 : memref<1x128x64xf32, #tpu.memory_space<vmem>> -> memref<128x64xf32, #tpu.memory_space<vmem>>
    %dma_start3A_54 = arith.constant 0 : i32
    %dma_start3A_55 = tpu.memref_slice %arg5[%dma_start3A_47, %dma_start3A_54] : memref<200x128xi32, #tpu.memory_space<vmem>> -> memref<1x128xi32, #tpu.memory_space<vmem>>
    %dma_start3A_56 = tpu.memref_squeeze %dma_start3A_55 : memref<1x128xi32, #tpu.memory_space<vmem>> -> memref<128xi32, #tpu.memory_space<vmem>>
    %dma_start3A_57 = arith.constant 0 : i32
    %dma_start3A_58 = arith.constant 0 : i32
    %dma_start3A_59 = tpu.memref_slice %arg3[%dma_start3A_57, %dma_start3A_58] : memref<1000000x64xf32, #tpu.memory_space<hbm>> -> memref<1000000x64xf32, #tpu.memory_space<hbm>>
    %dma_start3A_60 = tpu.memref_slice %arg8[%dma_start3A_49] : memref<4x!tpu.dma_semaphore, #tpu.memory_space<semaphore_mem>> -> memref<1x!tpu.dma_semaphore, #tpu.memory_space<semaphore_mem>>
    %dma_start3A_61 = tpu.memref_squeeze %dma_start3A_60 : memref<1x!tpu.dma_semaphore, #tpu.memory_space<semaphore_mem>> -> memref<!tpu.dma_semaphore, #tpu.memory_space<semaphore_mem>>
    tpu.enqueue_indirect_dma source(%dma_start3A_59 : memref<1000000x64xf32, #tpu.memory_space<hbm>>) target(%dma_start3A_53 : memref<128x64xf32, #tpu.memory_space<vmem>>) offsets(%dma_start3A_56 : memref<128xi32, #tpu.memory_space<vmem>>) semaphore(%dma_start3A_61 : memref<!tpu.dma_semaphore, #tpu.memory_space<semaphore_mem>>)
    %iota3A = tpu.iota {dimensions = array<i32: 0>} : vector<16xi32>
    %add3A_62 = arith.constant 0 : i32
    %add3A_63 = vector.broadcast %add3A_62 : i32 to vector<16xi32>
    %add3A_64 = arith.addi %add3A_63, %iota3A : vector<16xi32>
    %shift_right_logical3A = arith.constant 3 : i32
    %shift_right_logical3A_65 = vector.broadcast %shift_right_logical3A : i32 to vector<16xi32>
    %shift_right_logical3A_66 = arith.shrui %add3A_64, %shift_right_logical3A_65 : vector<16xi32>
    %and3A = arith.constant 7 : i32
    %and3A_67 = vector.broadcast %and3A : i32 to vector<16xi32>
    %and3A_68 = arith.andi %add3A_64, %and3A_67 : vector<16xi32>
    %iota3A_69 = tpu.iota {dimensions = array<i32: 0>} : vector<16xi32>
    %add3A_70 = arith.constant 16 : i32
    %add3A_71 = vector.broadcast %add3A_70 : i32 to vector<16xi32>
    %add3A_72 = arith.addi %add3A_71, %iota3A_69 : vector<16xi32>
    %shift_right_logical3A_73 = arith.constant 3 : i32
    %shift_right_logical3A_74 = vector.broadcast %shift_right_logical3A_73 : i32 to vector<16xi32>
    %shift_right_logical3A_75 = arith.shrui %add3A_72, %shift_right_logical3A_74 : vector<16xi32>
    %and3A_76 = arith.constant 7 : i32
    %and3A_77 = vector.broadcast %and3A_76 : i32 to vector<16xi32>
    %and3A_78 = arith.andi %add3A_72, %and3A_77 : vector<16xi32>
    %iota3A_79 = tpu.iota {dimensions = array<i32: 0>} : vector<16xi32>
    %add3A_80 = arith.constant 32 : i32
    %add3A_81 = vector.broadcast %add3A_80 : i32 to vector<16xi32>
    %add3A_82 = arith.addi %add3A_81, %iota3A_79 : vector<16xi32>
    %shift_right_logical3A_83 = arith.constant 3 : i32
    %shift_right_logical3A_84 = vector.broadcast %shift_right_logical3A_83 : i32 to vector<16xi32>
    %shift_right_logical3A_85 = arith.shrui %add3A_82, %shift_right_logical3A_84 : vector<16xi32>
    %and3A_86 = arith.constant 7 : i32
    %and3A_87 = vector.broadcast %and3A_86 : i32 to vector<16xi32>
    %and3A_88 = arith.andi %add3A_82, %and3A_87 : vector<16xi32>
    %iota3A_89 = tpu.iota {dimensions = array<i32: 0>} : vector<16xi32>
    %add3A_90 = arith.constant 48 : i32
    %add3A_91 = vector.broadcast %add3A_90 : i32 to vector<16xi32>
    %add3A_92 = arith.addi %add3A_91, %iota3A_89 : vector<16xi32>
    %shift_right_logical3A_93 = arith.constant 3 : i32
    %shift_right_logical3A_94 = vector.broadcast %shift_right_logical3A_93 : i32 to vector<16xi32>
    %shift_right_logical3A_95 = arith.shrui %add3A_92, %shift_right_logical3A_94 : vector<16xi32>
    %and3A_96 = arith.constant 7 : i32
    %and3A_97 = vector.broadcast %and3A_96 : i32 to vector<16xi32>
    %and3A_98 = arith.andi %add3A_92, %and3A_97 : vector<16xi32>
    %scan3A = arith.constant 0 : i32
    %scan3A_99 = arith.constant 0 : i32
    %scan3A_100 = arith.constant 50 : i32
    %scan3A_101 = arith.addi %scan3A_99, %scan3A_100 : i32
    %scan3A_102 = arith.constant 1 : i32
    scf.for %scan3A_207 = %scan3A_99 to %scan3A_101 step %scan3A_102  : i32 {
      %mul3A_208 = arith.constant 4 : i32
      %mul3A_209 = arith.muli %scan3A_207, %mul3A_208 : i32
      %add3A_210 = arith.constant 0 : i32
      %add3A_211 = arith.addi %mul3A_209, %add3A_210 : i32
      %dma_wait3A_212 = arith.constant 0 : i32
      %dma_wait3A_213 = arith.constant 0 : i32
      %dma_wait3A_214 = arith.constant 0 : i32
      %dma_wait3A_215 = arith.constant 0 : i32
      %dma_wait3A_216 = tpu.memref_slice %arg6[%dma_wait3A_212, %dma_wait3A_214, %dma_wait3A_215] : memref<4x128x64xf32, #tpu.memory_space<vmem>> -> memref<1x128x64xf32, #tpu.memory_space<vmem>>
      %dma_wait3A_217 = tpu.memref_squeeze %dma_wait3A_216 : memref<1x128x64xf32, #tpu.memory_space<vmem>> -> memref<128x64xf32, #tpu.memory_space<vmem>>
      %dma_wait3A_218 = arith.constant 0 : i32
      %dma_wait3A_219 = tpu.memref_slice %arg5[%add3A_211, %dma_wait3A_218] : memref<200x128xi32, #tpu.memory_space<vmem>> -> memref<1x128xi32, #tpu.memory_space<vmem>>
      %dma_wait3A_220 = tpu.memref_squeeze %dma_wait3A_219 : memref<1x128xi32, #tpu.memory_space<vmem>> -> memref<128xi32, #tpu.memory_space<vmem>>
      %dma_wait3A_221 = arith.constant 0 : i32
      %dma_wait3A_222 = arith.constant 0 : i32
      %dma_wait3A_223 = tpu.memref_slice %arg3[%dma_wait3A_221, %dma_wait3A_222] : memref<1000000x64xf32, #tpu.memory_space<hbm>> -> memref<1000000x64xf32, #tpu.memory_space<hbm>>
      %dma_wait3A_224 = tpu.memref_slice %arg8[%dma_wait3A_213] : memref<4x!tpu.dma_semaphore, #tpu.memory_space<semaphore_mem>> -> memref<1x!tpu.dma_semaphore, #tpu.memory_space<semaphore_mem>>
      %dma_wait3A_225 = tpu.memref_squeeze %dma_wait3A_224 : memref<1x!tpu.dma_semaphore, #tpu.memory_space<semaphore_mem>> -> memref<!tpu.dma_semaphore, #tpu.memory_space<semaphore_mem>>
      tpu.wait_indirect_dma semaphore(%dma_wait3A_225 : memref<!tpu.dma_semaphore, #tpu.memory_space<semaphore_mem>>) src(%dma_wait3A_223 : memref<1000000x64xf32, #tpu.memory_space<hbm>>) dst(%dma_wait3A_217 : memref<128x64xf32, #tpu.memory_space<vmem>>)
      %gt3A = arith.constant 0 : i32
      %gt3A_226 = arith.cmpi sgt, %scan3A_207, %gt3A : i32
      %convert_element_type3A = arith.extui %gt3A_226 : i1 to i32
      %cond3A = arith.constant 0 : i32
      %cond3A_227 = arith.cmpi ne, %convert_element_type3A, %cond3A : i32
      scf.if %cond3A_227 {
        %dma_wait3A_444 = arith.constant 0 : i32
        %dma_wait3A_445 = arith.constant 0 : i32
        %dma_wait3A_446 = arith.constant 0 : i32
        %dma_wait3A_447 = arith.constant 0 : i32
        %dma_wait3A_448 = arith.constant 0 : i32
        %dma_wait3A_449 = arith.constant 0 : i32
        %dma_wait3A_450 = arith.constant 0 : i32
        %dma_wait3A_451 = tpu.memref_slice %arg7[%dma_wait3A_444, %dma_wait3A_448, %dma_wait3A_449, %dma_wait3A_450] : memref<4x8x8x136xf32, #tpu.memory_space<vmem>> -> memref<1x8x8x128xf32, #tpu.memory_space<vmem>>
        %dma_wait3A_452 = tpu.memref_squeeze %dma_wait3A_451 : memref<1x8x8x128xf32, #tpu.memory_space<vmem>> -> memref<8x8x128xf32, #tpu.memory_space<vmem>>
        %dma_wait3A_453 = arith.constant 0 : i32
        %dma_wait3A_454 = arith.constant 0 : i32
        %dma_wait3A_455 = arith.constant 0 : i32
        %dma_wait3A_456 = tpu.memref_slice %arg4[%dma_wait3A_445, %dma_wait3A_453, %dma_wait3A_446, %dma_wait3A_454, %dma_wait3A_455] : memref<200x8x32x8x128xf32, #tpu.memory_space<hbm>> -> memref<1x8x1x8x128xf32, #tpu.memory_space<hbm>>
        %dma_wait3A_457 = tpu.memref_squeeze %dma_wait3A_456 : memref<1x8x1x8x128xf32, #tpu.memory_space<hbm>> -> memref<8x8x128xf32, #tpu.memory_space<hbm>>
        %dma_wait3A_458 = tpu.memref_slice %arg9[%dma_wait3A_447] : memref<4x!tpu.dma_semaphore, #tpu.memory_space<semaphore_mem>> -> memref<1x!tpu.dma_semaphore, #tpu.memory_space<semaphore_mem>>
        %dma_wait3A_459 = tpu.memref_squeeze %dma_wait3A_458 : memref<1x!tpu.dma_semaphore, #tpu.memory_space<semaphore_mem>> -> memref<!tpu.dma_semaphore, #tpu.memory_space<semaphore_mem>>
        %dma_wait3A_460 = arith.constant 0 : i32
        %dma_wait3A_461 = arith.constant 0 : i32
        %dma_wait3A_462 = arith.constant 0 : i32
        %dma_wait3A_463 = tpu.memref_slice %arg4[%dma_wait3A_445, %dma_wait3A_460, %dma_wait3A_446, %dma_wait3A_461, %dma_wait3A_462] : memref<200x8x32x8x128xf32, #tpu.memory_space<hbm>> -> memref<1x8x1x8x128xf32, #tpu.memory_space<hbm>>
        %dma_wait3A_464 = tpu.memref_squeeze %dma_wait3A_463 : memref<1x8x1x8x128xf32, #tpu.memory_space<hbm>> -> memref<8x8x128xf32, #tpu.memory_space<hbm>>
        %dma_wait3A_465 = arith.constant 0 : i32
        %dma_wait3A_466 = arith.constant 0 : i32
        %dma_wait3A_467 = arith.constant 0 : i32
        %dma_wait3A_468 = tpu.memref_slice %arg7[%dma_wait3A_444, %dma_wait3A_465, %dma_wait3A_466, %dma_wait3A_467] : memref<4x8x8x136xf32, #tpu.memory_space<vmem>> -> memref<1x8x8x128xf32, #tpu.memory_space<vmem>>
        %dma_wait3A_469 = tpu.memref_squeeze %dma_wait3A_468 : memref<1x8x8x128xf32, #tpu.memory_space<vmem>> -> memref<8x8x128xf32, #tpu.memory_space<vmem>>
        tpu.wait_dma2 semaphore(%dma_wait3A_459 : memref<!tpu.dma_semaphore, #tpu.memory_space<semaphore_mem>>) src(%dma_wait3A_469 : memref<8x8x128xf32, #tpu.memory_space<vmem>>) dst(%dma_wait3A_464 : memref<8x8x128xf32, #tpu.memory_space<hbm>>)
      } else {
      }
      %scan3A_228 = arith.constant 0 : i32
      %scan3A_229 = arith.constant 0 : i32
      %scan3A_230 = arith.constant 128 : i32
      %scan3A_231 = arith.addi %scan3A_229, %scan3A_230 : i32
      %scan3A_232 = arith.constant 1 : i32
      scf.for %scan3A_444 = %scan3A_229 to %scan3A_231 step %scan3A_232  : i32 {
        %broadcast_in_dim3A = vector.broadcast %scan3A_444 : i32 to vector<16xi32>
        %get3A = arith.constant 0 : i32
        %get3A_445 = arith.index_cast %get3A : i32 to index
        %get3A_446 = arith.index_cast %scan3A_444 : i32 to index
        %get3A_447 = arith.constant 0 : index
        %get3A_448 = tpu.vector_load %arg6[%get3A_445, %get3A_446, %get3A_447] {strides = array<i32>} : memref<4x128x64xf32, #tpu.memory_space<vmem>>, vector<16xf32>,
        %mul3A_449 = arith.constant 8.000000e+00 : f32
        %mul3A_450 = vector.broadcast %mul3A_449 : f32 to vector<16xf32>
        %mul3A_451 = arith.mulf %get3A_448, %mul3A_450 : vector<16xf32>
        %scatter3A = arith.constant 0 : i32
        %scatter3A_452 = arith.constant 0 : i32
        %scatter3A_453 = arith.constant 0 : i32
        %scatter3A_454 = arith.constant 0 : i32
        %scatter3A_455 = tpu.memref_slice %arg7[%scatter3A, %scatter3A_452, %scatter3A_453, %scatter3A_454] : memref<4x8x8x136xf32, #tpu.memory_space<vmem>> -> memref<1x8x8x136xf32, #tpu.memory_space<vmem>>
        %scatter3A_456 = tpu.memref_squeeze %scatter3A_455 : memref<1x8x8x136xf32, #tpu.memory_space<vmem>> -> memref<8x8x136xf32, #tpu.memory_space<vmem>>
        tpu.vector_store_idx %scatter3A_456[%shift_right_logical3A_66, %and3A_68, %broadcast_in_dim3A], %mul3A_451 : memref<8x8x136xf32, #tpu.memory_space<vmem>>[vector<16xi32>, vector<16xi32>, vector<16xi32>], vector<16xf32>,
        %get3A_457 = arith.constant 0 : i32
        %get3A_458 = arith.index_cast %get3A_457 : i32 to index
        %get3A_459 = arith.index_cast %scan3A_444 : i32 to index
        %get3A_460 = arith.constant 16 : index
        %get3A_461 = tpu.vector_load %arg6[%get3A_458, %get3A_459, %get3A_460] {strides = array<i32>} : memref<4x128x64xf32, #tpu.memory_space<vmem>>, vector<16xf32>,
        %mul3A_462 = arith.constant 8.000000e+00 : f32
        %mul3A_463 = vector.broadcast %mul3A_462 : f32 to vector<16xf32>
        %mul3A_464 = arith.mulf %get3A_461, %mul3A_463 : vector<16xf32>
        %scatter3A_465 = arith.constant 0 : i32
        %scatter3A_466 = arith.constant 0 : i32
        %scatter3A_467 = arith.constant 0 : i32
        %scatter3A_468 = arith.constant 0 : i32
        %scatter3A_469 = tpu.memref_slice %arg7[%scatter3A_465, %scatter3A_466, %scatter3A_467, %scatter3A_468] : memref<4x8x8x136xf32, #tpu.memory_space<vmem>> -> memref<1x8x8x136xf32, #tpu.memory_space<vmem>>
        %scatter3A_470 = tpu.memref_squeeze %scatter3A_469 : memref<1x8x8x136xf32, #tpu.memory_space<vmem>> -> memref<8x8x136xf32, #tpu.memory_space<vmem>>
        tpu.vector_store_idx %scatter3A_470[%shift_right_logical3A_75, %and3A_78, %broadcast_in_dim3A], %mul3A_464 : memref<8x8x136xf32, #tpu.memory_space<vmem>>[vector<16xi32>, vector<16xi32>, vector<16xi32>], vector<16xf32>,
        %get3A_471 = arith.constant 0 : i32
        %get3A_472 = arith.index_cast %get3A_471 : i32 to index
        %get3A_473 = arith.index_cast %scan3A_444 : i32 to index
        %get3A_474 = arith.constant 32 : index
        %get3A_475 = tpu.vector_load %arg6[%get3A_472, %get3A_473, %get3A_474] {strides = array<i32>} : memref<4x128x64xf32, #tpu.memory_space<vmem>>, vector<16xf32>,
        %mul3A_476 = arith.constant 8.000000e+00 : f32
        %mul3A_477 = vector.broadcast %mul3A_476 : f32 to vector<16xf32>
        %mul3A_478 = arith.mulf %get3A_475, %mul3A_477 : vector<16xf32>
        %scatter3A_479 = arith.constant 0 : i32
        %scatter3A_480 = arith.constant 0 : i32
        %scatter3A_481 = arith.constant 0 : i32
        %scatter3A_482 = arith.constant 0 : i32
        %scatter3A_483 = tpu.memref_slice %arg7[%scatter3A_479, %scatter3A_480, %scatter3A_481, %scatter3A_482] : memref<4x8x8x136xf32, #tpu.memory_space<vmem>> -> memref<1x8x8x136xf32, #tpu.memory_space<vmem>>
        %scatter3A_484 = tpu.memref_squeeze %scatter3A_483 : memref<1x8x8x136xf32, #tpu.memory_space<vmem>> -> memref<8x8x136xf32, #tpu.memory_space<vmem>>
        tpu.vector_store_idx %scatter3A_484[%shift_right_logical3A_85, %and3A_88, %broadcast_in_dim3A], %mul3A_478 : memref<8x8x136xf32, #tpu.memory_space<vmem>>[vector<16xi32>, vector<16xi32>, vector<16xi32>], vector<16xf32>,
        %get3A_485 = arith.constant 0 : i32
        %get3A_486 = arith.index_cast %get3A_485 : i32 to index
        %get3A_487 = arith.index_cast %scan3A_444 : i32 to index
        %get3A_488 = arith.constant 48 : index
        %get3A_489 = tpu.vector_load %arg6[%get3A_486, %get3A_487, %get3A_488] {strides = array<i32>} : memref<4x128x64xf32, #tpu.memory_space<vmem>>, vector<16xf32>,
        %mul3A_490 = arith.constant 8.000000e+00 : f32
        %mul3A_491 = vector.broadcast %mul3A_490 : f32 to vector<16xf32>
        %mul3A_492 = arith.mulf %get3A_489, %mul3A_491 : vector<16xf32>
        %scatter3A_493 = arith.constant 0 : i32
        %scatter3A_494 = arith.constant 0 : i32
        %scatter3A_495 = arith.constant 0 : i32
        %scatter3A_496 = arith.constant 0 : i32
        %scatter3A_497 = tpu.memref_slice %arg7[%scatter3A_493, %scatter3A_494, %scatter3A_495, %scatter3A_496] : memref<4x8x8x136xf32, #tpu.memory_space<vmem>> -> memref<1x8x8x136xf32, #tpu.memory_space<vmem>>
        %scatter3A_498 = tpu.memref_squeeze %scatter3A_497 : memref<1x8x8x136xf32, #tpu.memory_space<vmem>> -> memref<8x8x136xf32, #tpu.memory_space<vmem>>
        tpu.vector_store_idx %scatter3A_498[%shift_right_logical3A_95, %and3A_98, %broadcast_in_dim3A], %mul3A_492 : memref<8x8x136xf32, #tpu.memory_space<vmem>>[vector<16xi32>, vector<16xi32>, vector<16xi32>], vector<16xf32>,
      }
      %scan3A_233 = arith.constant 128 : i32
      %dma_start3A_234 = arith.constant 0 : i32
      %dma_start3A_235 = arith.constant 0 : i32
      %dma_start3A_236 = arith.constant 0 : i32
      %dma_start3A_237 = arith.constant 0 : i32
      %dma_start3A_238 = arith.constant 0 : i32
      %dma_start3A_239 = tpu.memref_slice %arg7[%dma_start3A_234, %dma_start3A_236, %dma_start3A_237, %dma_start3A_238] : memref<4x8x8x136xf32, #tpu.memory_space<vmem>> -> memref<1x8x8x128xf32, #tpu.memory_space<vmem>>
      %dma_start3A_240 = tpu.memref_squeeze %dma_start3A_239 : memref<1x8x8x128xf32, #tpu.memory_space<vmem>> -> memref<8x8x128xf32, #tpu.memory_space<vmem>>
      %dma_start3A_241 = arith.constant 0 : i32
      %dma_start3A_242 = arith.constant 0 : i32
      %dma_start3A_243 = arith.constant 0 : i32
      %dma_start3A_244 = tpu.memref_slice %arg4[%add3A_211, %dma_start3A_241, %add3A, %dma_start3A_242, %dma_start3A_243] : memref<200x8x32x8x128xf32, #tpu.memory_space<hbm>> -> memref<1x8x1x8x128xf32, #tpu.memory_space<hbm>>
      %dma_start3A_245 = tpu.memref_squeeze %dma_start3A_244 : memref<1x8x1x8x128xf32, #tpu.memory_space<hbm>> -> memref<8x8x128xf32, #tpu.memory_space<hbm>>
      %dma_start3A_246 = tpu.memref_slice %arg9[%dma_start3A_235] : memref<4x!tpu.dma_semaphore, #tpu.memory_space<semaphore_mem>> -> memref<1x!tpu.dma_semaphore, #tpu.memory_space<semaphore_mem>>
      %dma_start3A_247 = tpu.memref_squeeze %dma_start3A_246 : memref<1x!tpu.dma_semaphore, #tpu.memory_space<semaphore_mem>> -> memref<!tpu.dma_semaphore, #tpu.memory_space<semaphore_mem>>
      %dma_start3A_248 = arith.constant 0 : i32
      %dma_start3A_249 = arith.constant 0 : i32
      %dma_start3A_250 = arith.constant 0 : i32
      %dma_start3A_251 = tpu.memref_slice %arg4[%add3A_211, %dma_start3A_248, %add3A, %dma_start3A_249, %dma_start3A_250] : memref<200x8x32x8x128xf32, #tpu.memory_space<hbm>> -> memref<1x8x1x8x128xf32, #tpu.memory_space<hbm>>
      %dma_start3A_252 = tpu.memref_squeeze %dma_start3A_251 : memref<1x8x1x8x128xf32, #tpu.memory_space<hbm>> -> memref<8x8x128xf32, #tpu.memory_space<hbm>>
      %dma_start3A_253 = arith.constant 0 : i32
      %dma_start3A_254 = arith.constant 0 : i32
      %dma_start3A_255 = arith.constant 0 : i32
      %dma_start3A_256 = tpu.memref_slice %arg7[%dma_start3A_234, %dma_start3A_253, %dma_start3A_254, %dma_start3A_255] : memref<4x8x8x136xf32, #tpu.memory_space<vmem>> -> memref<1x8x8x128xf32, #tpu.memory_space<vmem>>
      %dma_start3A_257 = tpu.memref_squeeze %dma_start3A_256 : memref<1x8x8x128xf32, #tpu.memory_space<vmem>> -> memref<8x8x128xf32, #tpu.memory_space<vmem>>
      tpu.enqueue_dma source(%dma_start3A_257 : memref<8x8x128xf32, #tpu.memory_space<vmem>>) target(%dma_start3A_252 : memref<8x8x128xf32, #tpu.memory_space<hbm>>) target_semaphore(%dma_start3A_247 : memref<!tpu.dma_semaphore, #tpu.memory_space<semaphore_mem>>)
      %add3A_258 = arith.constant 4 : i32
      %add3A_259 = arith.addi %add3A_211, %add3A_258 : i32
      %lt3A = arith.constant 200 : i32
      %lt3A_260 = arith.cmpi slt, %add3A_259, %lt3A : i32
      %convert_element_type3A_261 = arith.extui %lt3A_260 : i1 to i32
      %cond3A_262 = arith.constant 0 : i32
      %cond3A_263 = arith.cmpi ne, %convert_element_type3A_261, %cond3A_262 : i32
      scf.if %cond3A_263 {
        %add3A_444 = arith.constant 4 : i32
        %add3A_445 = arith.addi %add3A_211, %add3A_444 : i32
        %dma_start3A_446 = arith.constant 0 : i32
        %dma_start3A_447 = arith.constant 0 : i32
        %dma_start3A_448 = arith.constant 0 : i32
        %dma_start3A_449 = arith.constant 0 : i32
        %dma_start3A_450 = tpu.memref_slice %arg6[%dma_start3A_446, %dma_start3A_448, %dma_start3A_449] : memref<4x128x64xf32, #tpu.memory_space<vmem>> -> memref<1x128x64xf32, #tpu.memory_space<vmem>>
        %dma_start3A_451 = tpu.memref_squeeze %dma_start3A_450 : memref<1x128x64xf32, #tpu.memory_space<vmem>> -> memref<128x64xf32, #tpu.memory_space<vmem>>
        %dma_start3A_452 = arith.constant 0 : i32
        %dma_start3A_453 = tpu.memref_slice %arg5[%add3A_445, %dma_start3A_452] : memref<200x128xi32, #tpu.memory_space<vmem>> -> memref<1x128xi32, #tpu.memory_space<vmem>>
        %dma_start3A_454 = tpu.memref_squeeze %dma_start3A_453 : memref<1x128xi32, #tpu.memory_space<vmem>> -> memref<128xi32, #tpu.memory_space<vmem>>
        %dma_start3A_455 = arith.constant 0 : i32
        %dma_start3A_456 = arith.constant 0 : i32
        %dma_start3A_457 = tpu.memref_slice %arg3[%dma_start3A_455, %dma_start3A_456] : memref<1000000x64xf32, #tpu.memory_space<hbm>> -> memref<1000000x64xf32, #tpu.memory_space<hbm>>
        %dma_start3A_458 = tpu.memref_slice %arg8[%dma_start3A_447] : memref<4x!tpu.dma_semaphore, #tpu.memory_space<semaphore_mem>> -> memref<1x!tpu.dma_semaphore, #tpu.memory_space<semaphore_mem>>
        %dma_start3A_459 = tpu.memref_squeeze %dma_start3A_458 : memref<1x!tpu.dma_semaphore, #tpu.memory_space<semaphore_mem>> -> memref<!tpu.dma_semaphore, #tpu.memory_space<semaphore_mem>>
        tpu.enqueue_indirect_dma source(%dma_start3A_457 : memref<1000000x64xf32, #tpu.memory_space<hbm>>) target(%dma_start3A_451 : memref<128x64xf32, #tpu.memory_space<vmem>>) offsets(%dma_start3A_454 : memref<128xi32, #tpu.memory_space<vmem>>) semaphore(%dma_start3A_459 : memref<!tpu.dma_semaphore, #tpu.memory_space<semaphore_mem>>)
      } else {
      }
      %mul3A_264 = arith.constant 4 : i32
      %mul3A_265 = arith.muli %scan3A_207, %mul3A_264 : i32
      %add3A_266 = arith.constant 1 : i32
      %add3A_267 = arith.addi %mul3A_265, %add3A_266 : i32
      %dma_wait3A_268 = arith.constant 1 : i32
      %dma_wait3A_269 = arith.constant 1 : i32
      %dma_wait3A_270 = arith.constant 0 : i32
      %dma_wait3A_271 = arith.constant 0 : i32
      %dma_wait3A_272 = tpu.memref_slice %arg6[%dma_wait3A_268, %dma_wait3A_270, %dma_wait3A_271] : memref<4x128x64xf32, #tpu.memory_space<vmem>> -> memref<1x128x64xf32, #tpu.memory_space<vmem>>
      %dma_wait3A_273 = tpu.memref_squeeze %dma_wait3A_272 : memref<1x128x64xf32, #tpu.memory_space<vmem>> -> memref<128x64xf32, #tpu.memory_space<vmem>>
      %dma_wait3A_274 = arith.constant 0 : i32
      %dma_wait3A_275 = tpu.memref_slice %arg5[%add3A_267, %dma_wait3A_274] : memref<200x128xi32, #tpu.memory_space<vmem>> -> memref<1x128xi32, #tpu.memory_space<vmem>>
      %dma_wait3A_276 = tpu.memref_squeeze %dma_wait3A_275 : memref<1x128xi32, #tpu.memory_space<vmem>> -> memref<128xi32, #tpu.memory_space<vmem>>
      %dma_wait3A_277 = arith.constant 0 : i32
      %dma_wait3A_278 = arith.constant 0 : i32
      %dma_wait3A_279 = tpu.memref_slice %arg3[%dma_wait3A_277, %dma_wait3A_278] : memref<1000000x64xf32, #tpu.memory_space<hbm>> -> memref<1000000x64xf32, #tpu.memory_space<hbm>>
      %dma_wait3A_280 = tpu.memref_slice %arg8[%dma_wait3A_269] : memref<4x!tpu.dma_semaphore, #tpu.memory_space<semaphore_mem>> -> memref<1x!tpu.dma_semaphore, #tpu.memory_space<semaphore_mem>>
      %dma_wait3A_281 = tpu.memref_squeeze %dma_wait3A_280 : memref<1x!tpu.dma_semaphore, #tpu.memory_space<semaphore_mem>> -> memref<!tpu.dma_semaphore, #tpu.memory_space<semaphore_mem>>
      tpu.wait_indirect_dma semaphore(%dma_wait3A_281 : memref<!tpu.dma_semaphore, #tpu.memory_space<semaphore_mem>>) src(%dma_wait3A_279 : memref<1000000x64xf32, #tpu.memory_space<hbm>>) dst(%dma_wait3A_273 : memref<128x64xf32, #tpu.memory_space<vmem>>)
      %gt3A_282 = arith.constant 0 : i32
      %gt3A_283 = arith.cmpi sgt, %scan3A_207, %gt3A_282 : i32
      %convert_element_type3A_284 = arith.extui %gt3A_283 : i1 to i32
      %cond3A_285 = arith.constant 0 : i32
      %cond3A_286 = arith.cmpi ne, %convert_element_type3A_284, %cond3A_285 : i32
      scf.if %cond3A_286 {
        %dma_wait3A_444 = arith.constant 1 : i32
        %dma_wait3A_445 = arith.constant 0 : i32
        %dma_wait3A_446 = arith.constant 0 : i32
        %dma_wait3A_447 = arith.constant 1 : i32
        %dma_wait3A_448 = arith.constant 0 : i32
        %dma_wait3A_449 = arith.constant 0 : i32
        %dma_wait3A_450 = arith.constant 0 : i32
        %dma_wait3A_451 = tpu.memref_slice %arg7[%dma_wait3A_444, %dma_wait3A_448, %dma_wait3A_449, %dma_wait3A_450] : memref<4x8x8x136xf32, #tpu.memory_space<vmem>> -> memref<1x8x8x128xf32, #tpu.memory_space<vmem>>
        %dma_wait3A_452 = tpu.memref_squeeze %dma_wait3A_451 : memref<1x8x8x128xf32, #tpu.memory_space<vmem>> -> memref<8x8x128xf32, #tpu.memory_space<vmem>>
        %dma_wait3A_453 = arith.constant 0 : i32
        %dma_wait3A_454 = arith.constant 0 : i32
        %dma_wait3A_455 = arith.constant 0 : i32
        %dma_wait3A_456 = tpu.memref_slice %arg4[%dma_wait3A_445, %dma_wait3A_453, %dma_wait3A_446, %dma_wait3A_454, %dma_wait3A_455] : memref<200x8x32x8x128xf32, #tpu.memory_space<hbm>> -> memref<1x8x1x8x128xf32, #tpu.memory_space<hbm>>
        %dma_wait3A_457 = tpu.memref_squeeze %dma_wait3A_456 : memref<1x8x1x8x128xf32, #tpu.memory_space<hbm>> -> memref<8x8x128xf32, #tpu.memory_space<hbm>>
        %dma_wait3A_458 = tpu.memref_slice %arg9[%dma_wait3A_447] : memref<4x!tpu.dma_semaphore, #tpu.memory_space<semaphore_mem>> -> memref<1x!tpu.dma_semaphore, #tpu.memory_space<semaphore_mem>>
        %dma_wait3A_459 = tpu.memref_squeeze %dma_wait3A_458 : memref<1x!tpu.dma_semaphore, #tpu.memory_space<semaphore_mem>> -> memref<!tpu.dma_semaphore, #tpu.memory_space<semaphore_mem>>
        %dma_wait3A_460 = arith.constant 0 : i32
        %dma_wait3A_461 = arith.constant 0 : i32
        %dma_wait3A_462 = arith.constant 0 : i32
        %dma_wait3A_463 = tpu.memref_slice %arg4[%dma_wait3A_445, %dma_wait3A_460, %dma_wait3A_446, %dma_wait3A_461, %dma_wait3A_462] : memref<200x8x32x8x128xf32, #tpu.memory_space<hbm>> -> memref<1x8x1x8x128xf32, #tpu.memory_space<hbm>>
        %dma_wait3A_464 = tpu.memref_squeeze %dma_wait3A_463 : memref<1x8x1x8x128xf32, #tpu.memory_space<hbm>> -> memref<8x8x128xf32, #tpu.memory_space<hbm>>
        %dma_wait3A_465 = arith.constant 0 : i32
        %dma_wait3A_466 = arith.constant 0 : i32
        %dma_wait3A_467 = arith.constant 0 : i32
        %dma_wait3A_468 = tpu.memref_slice %arg7[%dma_wait3A_444, %dma_wait3A_465, %dma_wait3A_466, %dma_wait3A_467] : memref<4x8x8x136xf32, #tpu.memory_space<vmem>> -> memref<1x8x8x128xf32, #tpu.memory_space<vmem>>
        %dma_wait3A_469 = tpu.memref_squeeze %dma_wait3A_468 : memref<1x8x8x128xf32, #tpu.memory_space<vmem>> -> memref<8x8x128xf32, #tpu.memory_space<vmem>>
        tpu.wait_dma2 semaphore(%dma_wait3A_459 : memref<!tpu.dma_semaphore, #tpu.memory_space<semaphore_mem>>) src(%dma_wait3A_469 : memref<8x8x128xf32, #tpu.memory_space<vmem>>) dst(%dma_wait3A_464 : memref<8x8x128xf32, #tpu.memory_space<hbm>>)
      } else {
      }
      %scan3A_287 = arith.constant 0 : i32
      %scan3A_288 = arith.constant 0 : i32
      %scan3A_289 = arith.constant 128 : i32
      %scan3A_290 = arith.addi %scan3A_288, %scan3A_289 : i32
      %scan3A_291 = arith.constant 1 : i32
      scf.for %scan3A_444 = %scan3A_288 to %scan3A_290 step %scan3A_291  : i32 {
        %broadcast_in_dim3A = vector.broadcast %scan3A_444 : i32 to vector<16xi32>
        %get3A = arith.constant 1 : i32
        %get3A_445 = arith.index_cast %get3A : i32 to index
        %get3A_446 = arith.index_cast %scan3A_444 : i32 to index
        %get3A_447 = arith.constant 0 : index
        %get3A_448 = tpu.vector_load %arg6[%get3A_445, %get3A_446, %get3A_447] {strides = array<i32>} : memref<4x128x64xf32, #tpu.memory_space<vmem>>, vector<16xf32>,
        %mul3A_449 = arith.constant 8.000000e+00 : f32
        %mul3A_450 = vector.broadcast %mul3A_449 : f32 to vector<16xf32>
        %mul3A_451 = arith.mulf %get3A_448, %mul3A_450 : vector<16xf32>
        %scatter3A = arith.constant 1 : i32
        %scatter3A_452 = arith.constant 0 : i32
        %scatter3A_453 = arith.constant 0 : i32
        %scatter3A_454 = arith.constant 0 : i32
        %scatter3A_455 = tpu.memref_slice %arg7[%scatter3A, %scatter3A_452, %scatter3A_453, %scatter3A_454] : memref<4x8x8x136xf32, #tpu.memory_space<vmem>> -> memref<1x8x8x136xf32, #tpu.memory_space<vmem>>
        %scatter3A_456 = tpu.memref_squeeze %scatter3A_455 : memref<1x8x8x136xf32, #tpu.memory_space<vmem>> -> memref<8x8x136xf32, #tpu.memory_space<vmem>>
        tpu.vector_store_idx %scatter3A_456[%shift_right_logical3A_66, %and3A_68, %broadcast_in_dim3A], %mul3A_451 : memref<8x8x136xf32, #tpu.memory_space<vmem>>[vector<16xi32>, vector<16xi32>, vector<16xi32>], vector<16xf32>,
        %get3A_457 = arith.constant 1 : i32
        %get3A_458 = arith.index_cast %get3A_457 : i32 to index
        %get3A_459 = arith.index_cast %scan3A_444 : i32 to index
        %get3A_460 = arith.constant 16 : index
        %get3A_461 = tpu.vector_load %arg6[%get3A_458, %get3A_459, %get3A_460] {strides = array<i32>} : memref<4x128x64xf32, #tpu.memory_space<vmem>>, vector<16xf32>,
        %mul3A_462 = arith.constant 8.000000e+00 : f32
        %mul3A_463 = vector.broadcast %mul3A_462 : f32 to vector<16xf32>
        %mul3A_464 = arith.mulf %get3A_461, %mul3A_463 : vector<16xf32>
        %scatter3A_465 = arith.constant 1 : i32
        %scatter3A_466 = arith.constant 0 : i32
        %scatter3A_467 = arith.constant 0 : i32
        %scatter3A_468 = arith.constant 0 : i32
        %scatter3A_469 = tpu.memref_slice %arg7[%scatter3A_465, %scatter3A_466, %scatter3A_467, %scatter3A_468] : memref<4x8x8x136xf32, #tpu.memory_space<vmem>> -> memref<1x8x8x136xf32, #tpu.memory_space<vmem>>
        %scatter3A_470 = tpu.memref_squeeze %scatter3A_469 : memref<1x8x8x136xf32, #tpu.memory_space<vmem>> -> memref<8x8x136xf32, #tpu.memory_space<vmem>>
        tpu.vector_store_idx %scatter3A_470[%shift_right_logical3A_75, %and3A_78, %broadcast_in_dim3A], %mul3A_464 : memref<8x8x136xf32, #tpu.memory_space<vmem>>[vector<16xi32>, vector<16xi32>, vector<16xi32>], vector<16xf32>,
        %get3A_471 = arith.constant 1 : i32
        %get3A_472 = arith.index_cast %get3A_471 : i32 to index
        %get3A_473 = arith.index_cast %scan3A_444 : i32 to index
        %get3A_474 = arith.constant 32 : index
        %get3A_475 = tpu.vector_load %arg6[%get3A_472, %get3A_473, %get3A_474] {strides = array<i32>} : memref<4x128x64xf32, #tpu.memory_space<vmem>>, vector<16xf32>,
        %mul3A_476 = arith.constant 8.000000e+00 : f32
        %mul3A_477 = vector.broadcast %mul3A_476 : f32 to vector<16xf32>
        %mul3A_478 = arith.mulf %get3A_475, %mul3A_477 : vector<16xf32>
        %scatter3A_479 = arith.constant 1 : i32
        %scatter3A_480 = arith.constant 0 : i32
        %scatter3A_481 = arith.constant 0 : i32
        %scatter3A_482 = arith.constant 0 : i32
        %scatter3A_483 = tpu.memref_slice %arg7[%scatter3A_479, %scatter3A_480, %scatter3A_481, %scatter3A_482] : memref<4x8x8x136xf32, #tpu.memory_space<vmem>> -> memref<1x8x8x136xf32, #tpu.memory_space<vmem>>
        %scatter3A_484 = tpu.memref_squeeze %scatter3A_483 : memref<1x8x8x136xf32, #tpu.memory_space<vmem>> -> memref<8x8x136xf32, #tpu.memory_space<vmem>>
        tpu.vector_store_idx %scatter3A_484[%shift_right_logical3A_85, %and3A_88, %broadcast_in_dim3A], %mul3A_478 : memref<8x8x136xf32, #tpu.memory_space<vmem>>[vector<16xi32>, vector<16xi32>, vector<16xi32>], vector<16xf32>,
        %get3A_485 = arith.constant 1 : i32
        %get3A_486 = arith.index_cast %get3A_485 : i32 to index
        %get3A_487 = arith.index_cast %scan3A_444 : i32 to index
        %get3A_488 = arith.constant 48 : index
        %get3A_489 = tpu.vector_load %arg6[%get3A_486, %get3A_487, %get3A_488] {strides = array<i32>} : memref<4x128x64xf32, #tpu.memory_space<vmem>>, vector<16xf32>,
        %mul3A_490 = arith.constant 8.000000e+00 : f32
        %mul3A_491 = vector.broadcast %mul3A_490 : f32 to vector<16xf32>
        %mul3A_492 = arith.mulf %get3A_489, %mul3A_491 : vector<16xf32>
        %scatter3A_493 = arith.constant 1 : i32
        %scatter3A_494 = arith.constant 0 : i32
        %scatter3A_495 = arith.constant 0 : i32
        %scatter3A_496 = arith.constant 0 : i32
        %scatter3A_497 = tpu.memref_slice %arg7[%scatter3A_493, %scatter3A_494, %scatter3A_495, %scatter3A_496] : memref<4x8x8x136xf32, #tpu.memory_space<vmem>> -> memref<1x8x8x136xf32, #tpu.memory_space<vmem>>
        %scatter3A_498 = tpu.memref_squeeze %scatter3A_497 : memref<1x8x8x136xf32, #tpu.memory_space<vmem>> -> memref<8x8x136xf32, #tpu.memory_space<vmem>>
        tpu.vector_store_idx %scatter3A_498[%shift_right_logical3A_95, %and3A_98, %broadcast_in_dim3A], %mul3A_492 : memref<8x8x136xf32, #tpu.memory_space<vmem>>[vector<16xi32>, vector<16xi32>, vector<16xi32>], vector<16xf32>,
      }
      %scan3A_292 = arith.constant 128 : i32
      %dma_start3A_293 = arith.constant 1 : i32
      %dma_start3A_294 = arith.constant 1 : i32
      %dma_start3A_295 = arith.constant 0 : i32
      %dma_start3A_296 = arith.constant 0 : i32
      %dma_start3A_297 = arith.constant 0 : i32
      %dma_start3A_298 = tpu.memref_slice %arg7[%dma_start3A_293, %dma_start3A_295, %dma_start3A_296, %dma_start3A_297] : memref<4x8x8x136xf32, #tpu.memory_space<vmem>> -> memref<1x8x8x128xf32, #tpu.memory_space<vmem>>
      %dma_start3A_299 = tpu.memref_squeeze %dma_start3A_298 : memref<1x8x8x128xf32, #tpu.memory_space<vmem>> -> memref<8x8x128xf32, #tpu.memory_space<vmem>>
      %dma_start3A_300 = arith.constant 0 : i32
      %dma_start3A_301 = arith.constant 0 : i32
      %dma_start3A_302 = arith.constant 0 : i32
      %dma_start3A_303 = tpu.memref_slice %arg4[%add3A_267, %dma_start3A_300, %add3A, %dma_start3A_301, %dma_start3A_302] : memref<200x8x32x8x128xf32, #tpu.memory_space<hbm>> -> memref<1x8x1x8x128xf32, #tpu.memory_space<hbm>>
      %dma_start3A_304 = tpu.memref_squeeze %dma_start3A_303 : memref<1x8x1x8x128xf32, #tpu.memory_space<hbm>> -> memref<8x8x128xf32, #tpu.memory_space<hbm>>
      %dma_start3A_305 = tpu.memref_slice %arg9[%dma_start3A_294] : memref<4x!tpu.dma_semaphore, #tpu.memory_space<semaphore_mem>> -> memref<1x!tpu.dma_semaphore, #tpu.memory_space<semaphore_mem>>
      %dma_start3A_306 = tpu.memref_squeeze %dma_start3A_305 : memref<1x!tpu.dma_semaphore, #tpu.memory_space<semaphore_mem>> -> memref<!tpu.dma_semaphore, #tpu.memory_space<semaphore_mem>>
      %dma_start3A_307 = arith.constant 0 : i32
      %dma_start3A_308 = arith.constant 0 : i32
      %dma_start3A_309 = arith.constant 0 : i32
      %dma_start3A_310 = tpu.memref_slice %arg4[%add3A_267, %dma_start3A_307, %add3A, %dma_start3A_308, %dma_start3A_309] : memref<200x8x32x8x128xf32, #tpu.memory_space<hbm>> -> memref<1x8x1x8x128xf32, #tpu.memory_space<hbm>>
      %dma_start3A_311 = tpu.memref_squeeze %dma_start3A_310 : memref<1x8x1x8x128xf32, #tpu.memory_space<hbm>> -> memref<8x8x128xf32, #tpu.memory_space<hbm>>
      %dma_start3A_312 = arith.constant 0 : i32
      %dma_start3A_313 = arith.constant 0 : i32
      %dma_start3A_314 = arith.constant 0 : i32
      %dma_start3A_315 = tpu.memref_slice %arg7[%dma_start3A_293, %dma_start3A_312, %dma_start3A_313, %dma_start3A_314] : memref<4x8x8x136xf32, #tpu.memory_space<vmem>> -> memref<1x8x8x128xf32, #tpu.memory_space<vmem>>
      %dma_start3A_316 = tpu.memref_squeeze %dma_start3A_315 : memref<1x8x8x128xf32, #tpu.memory_space<vmem>> -> memref<8x8x128xf32, #tpu.memory_space<vmem>>
      tpu.enqueue_dma source(%dma_start3A_316 : memref<8x8x128xf32, #tpu.memory_space<vmem>>) target(%dma_start3A_311 : memref<8x8x128xf32, #tpu.memory_space<hbm>>) target_semaphore(%dma_start3A_306 : memref<!tpu.dma_semaphore, #tpu.memory_space<semaphore_mem>>)
      %add3A_317 = arith.constant 4 : i32
      %add3A_318 = arith.addi %add3A_267, %add3A_317 : i32
      %lt3A_319 = arith.constant 200 : i32
      %lt3A_320 = arith.cmpi slt, %add3A_318, %lt3A_319 : i32
      %convert_element_type3A_321 = arith.extui %lt3A_320 : i1 to i32
      %cond3A_322 = arith.constant 0 : i32
      %cond3A_323 = arith.cmpi ne, %convert_element_type3A_321, %cond3A_322 : i32
      scf.if %cond3A_323 {
        %add3A_444 = arith.constant 4 : i32
        %add3A_445 = arith.addi %add3A_267, %add3A_444 : i32
        %dma_start3A_446 = arith.constant 1 : i32
        %dma_start3A_447 = arith.constant 1 : i32
        %dma_start3A_448 = arith.constant 0 : i32
        %dma_start3A_449 = arith.constant 0 : i32
        %dma_start3A_450 = tpu.memref_slice %arg6[%dma_start3A_446, %dma_start3A_448, %dma_start3A_449] : memref<4x128x64xf32, #tpu.memory_space<vmem>> -> memref<1x128x64xf32, #tpu.memory_space<vmem>>
        %dma_start3A_451 = tpu.memref_squeeze %dma_start3A_450 : memref<1x128x64xf32, #tpu.memory_space<vmem>> -> memref<128x64xf32, #tpu.memory_space<vmem>>
        %dma_start3A_452 = arith.constant 0 : i32
        %dma_start3A_453 = tpu.memref_slice %arg5[%add3A_445, %dma_start3A_452] : memref<200x128xi32, #tpu.memory_space<vmem>> -> memref<1x128xi32, #tpu.memory_space<vmem>>
        %dma_start3A_454 = tpu.memref_squeeze %dma_start3A_453 : memref<1x128xi32, #tpu.memory_space<vmem>> -> memref<128xi32, #tpu.memory_space<vmem>>
        %dma_start3A_455 = arith.constant 0 : i32
        %dma_start3A_456 = arith.constant 0 : i32
        %dma_start3A_457 = tpu.memref_slice %arg3[%dma_start3A_455, %dma_start3A_456] : memref<1000000x64xf32, #tpu.memory_space<hbm>> -> memref<1000000x64xf32, #tpu.memory_space<hbm>>
        %dma_start3A_458 = tpu.memref_slice %arg8[%dma_start3A_447] : memref<4x!tpu.dma_semaphore, #tpu.memory_space<semaphore_mem>> -> memref<1x!tpu.dma_semaphore, #tpu.memory_space<semaphore_mem>>
        %dma_start3A_459 = tpu.memref_squeeze %dma_start3A_458 : memref<1x!tpu.dma_semaphore, #tpu.memory_space<semaphore_mem>> -> memref<!tpu.dma_semaphore, #tpu.memory_space<semaphore_mem>>
        tpu.enqueue_indirect_dma source(%dma_start3A_457 : memref<1000000x64xf32, #tpu.memory_space<hbm>>) target(%dma_start3A_451 : memref<128x64xf32, #tpu.memory_space<vmem>>) offsets(%dma_start3A_454 : memref<128xi32, #tpu.memory_space<vmem>>) semaphore(%dma_start3A_459 : memref<!tpu.dma_semaphore, #tpu.memory_space<semaphore_mem>>)
      } else {
      }
      %mul3A_324 = arith.constant 4 : i32
      %mul3A_325 = arith.muli %scan3A_207, %mul3A_324 : i32
      %add3A_326 = arith.constant 2 : i32
      %add3A_327 = arith.addi %mul3A_325, %add3A_326 : i32
      %dma_wait3A_328 = arith.constant 2 : i32
      %dma_wait3A_329 = arith.constant 2 : i32
      %dma_wait3A_330 = arith.constant 0 : i32
      %dma_wait3A_331 = arith.constant 0 : i32
      %dma_wait3A_332 = tpu.memref_slice %arg6[%dma_wait3A_328, %dma_wait3A_330, %dma_wait3A_331] : memref<4x128x64xf32, #tpu.memory_space<vmem>> -> memref<1x128x64xf32, #tpu.memory_space<vmem>>
      %dma_wait3A_333 = tpu.memref_squeeze %dma_wait3A_332 : memref<1x128x64xf32, #tpu.memory_space<vmem>> -> memref<128x64xf32, #tpu.memory_space<vmem>>
      %dma_wait3A_334 = arith.constant 0 : i32
      %dma_wait3A_335 = tpu.memref_slice %arg5[%add3A_327, %dma_wait3A_334] : memref<200x128xi32, #tpu.memory_space<vmem>> -> memref<1x128xi32, #tpu.memory_space<vmem>>
      %dma_wait3A_336 = tpu.memref_squeeze %dma_wait3A_335 : memref<1x128xi32, #tpu.memory_space<vmem>> -> memref<128xi32, #tpu.memory_space<vmem>>
      %dma_wait3A_337 = arith.constant 0 : i32
      %dma_wait3A_338 = arith.constant 0 : i32
      %dma_wait3A_339 = tpu.memref_slice %arg3[%dma_wait3A_337, %dma_wait3A_338] : memref<1000000x64xf32, #tpu.memory_space<hbm>> -> memref<1000000x64xf32, #tpu.memory_space<hbm>>
      %dma_wait3A_340 = tpu.memref_slice %arg8[%dma_wait3A_329] : memref<4x!tpu.dma_semaphore, #tpu.memory_space<semaphore_mem>> -> memref<1x!tpu.dma_semaphore, #tpu.memory_space<semaphore_mem>>
      %dma_wait3A_341 = tpu.memref_squeeze %dma_wait3A_340 : memref<1x!tpu.dma_semaphore, #tpu.memory_space<semaphore_mem>> -> memref<!tpu.dma_semaphore, #tpu.memory_space<semaphore_mem>>
      tpu.wait_indirect_dma semaphore(%dma_wait3A_341 : memref<!tpu.dma_semaphore, #tpu.memory_space<semaphore_mem>>) src(%dma_wait3A_339 : memref<1000000x64xf32, #tpu.memory_space<hbm>>) dst(%dma_wait3A_333 : memref<128x64xf32, #tpu.memory_space<vmem>>)
      %gt3A_342 = arith.constant 0 : i32
      %gt3A_343 = arith.cmpi sgt, %scan3A_207, %gt3A_342 : i32
      %convert_element_type3A_344 = arith.extui %gt3A_343 : i1 to i32
      %cond3A_345 = arith.constant 0 : i32
      %cond3A_346 = arith.cmpi ne, %convert_element_type3A_344, %cond3A_345 : i32
      scf.if %cond3A_346 {
        %dma_wait3A_444 = arith.constant 2 : i32
        %dma_wait3A_445 = arith.constant 0 : i32
        %dma_wait3A_446 = arith.constant 0 : i32
        %dma_wait3A_447 = arith.constant 2 : i32
        %dma_wait3A_448 = arith.constant 0 : i32
        %dma_wait3A_449 = arith.constant 0 : i32
        %dma_wait3A_450 = arith.constant 0 : i32
        %dma_wait3A_451 = tpu.memref_slice %arg7[%dma_wait3A_444, %dma_wait3A_448, %dma_wait3A_449, %dma_wait3A_450] : memref<4x8x8x136xf32, #tpu.memory_space<vmem>> -> memref<1x8x8x128xf32, #tpu.memory_space<vmem>>
        %dma_wait3A_452 = tpu.memref_squeeze %dma_wait3A_451 : memref<1x8x8x128xf32, #tpu.memory_space<vmem>> -> memref<8x8x128xf32, #tpu.memory_space<vmem>>
        %dma_wait3A_453 = arith.constant 0 : i32
        %dma_wait3A_454 = arith.constant 0 : i32
        %dma_wait3A_455 = arith.constant 0 : i32
        %dma_wait3A_456 = tpu.memref_slice %arg4[%dma_wait3A_445, %dma_wait3A_453, %dma_wait3A_446, %dma_wait3A_454, %dma_wait3A_455] : memref<200x8x32x8x128xf32, #tpu.memory_space<hbm>> -> memref<1x8x1x8x128xf32, #tpu.memory_space<hbm>>
        %dma_wait3A_457 = tpu.memref_squeeze %dma_wait3A_456 : memref<1x8x1x8x128xf32, #tpu.memory_space<hbm>> -> memref<8x8x128xf32, #tpu.memory_space<hbm>>
        %dma_wait3A_458 = tpu.memref_slice %arg9[%dma_wait3A_447] : memref<4x!tpu.dma_semaphore, #tpu.memory_space<semaphore_mem>> -> memref<1x!tpu.dma_semaphore, #tpu.memory_space<semaphore_mem>>
        %dma_wait3A_459 = tpu.memref_squeeze %dma_wait3A_458 : memref<1x!tpu.dma_semaphore, #tpu.memory_space<semaphore_mem>> -> memref<!tpu.dma_semaphore, #tpu.memory_space<semaphore_mem>>
        %dma_wait3A_460 = arith.constant 0 : i32
        %dma_wait3A_461 = arith.constant 0 : i32
        %dma_wait3A_462 = arith.constant 0 : i32
        %dma_wait3A_463 = tpu.memref_slice %arg4[%dma_wait3A_445, %dma_wait3A_460, %dma_wait3A_446, %dma_wait3A_461, %dma_wait3A_462] : memref<200x8x32x8x128xf32, #tpu.memory_space<hbm>> -> memref<1x8x1x8x128xf32, #tpu.memory_space<hbm>>
        %dma_wait3A_464 = tpu.memref_squeeze %dma_wait3A_463 : memref<1x8x1x8x128xf32, #tpu.memory_space<hbm>> -> memref<8x8x128xf32, #tpu.memory_space<hbm>>
        %dma_wait3A_465 = arith.constant 0 : i32
        %dma_wait3A_466 = arith.constant 0 : i32
        %dma_wait3A_467 = arith.constant 0 : i32
        %dma_wait3A_468 = tpu.memref_slice %arg7[%dma_wait3A_444, %dma_wait3A_465, %dma_wait3A_466, %dma_wait3A_467] : memref<4x8x8x136xf32, #tpu.memory_space<vmem>> -> memref<1x8x8x128xf32, #tpu.memory_space<vmem>>
        %dma_wait3A_469 = tpu.memref_squeeze %dma_wait3A_468 : memref<1x8x8x128xf32, #tpu.memory_space<vmem>> -> memref<8x8x128xf32, #tpu.memory_space<vmem>>
        tpu.wait_dma2 semaphore(%dma_wait3A_459 : memref<!tpu.dma_semaphore, #tpu.memory_space<semaphore_mem>>) src(%dma_wait3A_469 : memref<8x8x128xf32, #tpu.memory_space<vmem>>) dst(%dma_wait3A_464 : memref<8x8x128xf32, #tpu.memory_space<hbm>>)
      } else {
      }
      %scan3A_347 = arith.constant 0 : i32
      %scan3A_348 = arith.constant 0 : i32
      %scan3A_349 = arith.constant 128 : i32
      %scan3A_350 = arith.addi %scan3A_348, %scan3A_349 : i32
      %scan3A_351 = arith.constant 1 : i32
      scf.for %scan3A_444 = %scan3A_348 to %scan3A_350 step %scan3A_351  : i32 {
        %broadcast_in_dim3A = vector.broadcast %scan3A_444 : i32 to vector<16xi32>
        %get3A = arith.constant 2 : i32
        %get3A_445 = arith.index_cast %get3A : i32 to index
        %get3A_446 = arith.index_cast %scan3A_444 : i32 to index
        %get3A_447 = arith.constant 0 : index
        %get3A_448 = tpu.vector_load %arg6[%get3A_445, %get3A_446, %get3A_447] {strides = array<i32>} : memref<4x128x64xf32, #tpu.memory_space<vmem>>, vector<16xf32>,
        %mul3A_449 = arith.constant 8.000000e+00 : f32
        %mul3A_450 = vector.broadcast %mul3A_449 : f32 to vector<16xf32>
        %mul3A_451 = arith.mulf %get3A_448, %mul3A_450 : vector<16xf32>
        %scatter3A = arith.constant 2 : i32
        %scatter3A_452 = arith.constant 0 : i32
        %scatter3A_453 = arith.constant 0 : i32
        %scatter3A_454 = arith.constant 0 : i32
        %scatter3A_455 = tpu.memref_slice %arg7[%scatter3A, %scatter3A_452, %scatter3A_453, %scatter3A_454] : memref<4x8x8x136xf32, #tpu.memory_space<vmem>> -> memref<1x8x8x136xf32, #tpu.memory_space<vmem>>
        %scatter3A_456 = tpu.memref_squeeze %scatter3A_455 : memref<1x8x8x136xf32, #tpu.memory_space<vmem>> -> memref<8x8x136xf32, #tpu.memory_space<vmem>>
        tpu.vector_store_idx %scatter3A_456[%shift_right_logical3A_66, %and3A_68, %broadcast_in_dim3A], %mul3A_451 : memref<8x8x136xf32, #tpu.memory_space<vmem>>[vector<16xi32>, vector<16xi32>, vector<16xi32>], vector<16xf32>,
        %get3A_457 = arith.constant 2 : i32
        %get3A_458 = arith.index_cast %get3A_457 : i32 to index
        %get3A_459 = arith.index_cast %scan3A_444 : i32 to index
        %get3A_460 = arith.constant 16 : index
        %get3A_461 = tpu.vector_load %arg6[%get3A_458, %get3A_459, %get3A_460] {strides = array<i32>} : memref<4x128x64xf32, #tpu.memory_space<vmem>>, vector<16xf32>,
        %mul3A_462 = arith.constant 8.000000e+00 : f32
        %mul3A_463 = vector.broadcast %mul3A_462 : f32 to vector<16xf32>
        %mul3A_464 = arith.mulf %get3A_461, %mul3A_463 : vector<16xf32>
        %scatter3A_465 = arith.constant 2 : i32
        %scatter3A_466 = arith.constant 0 : i32
        %scatter3A_467 = arith.constant 0 : i32
        %scatter3A_468 = arith.constant 0 : i32
        %scatter3A_469 = tpu.memref_slice %arg7[%scatter3A_465, %scatter3A_466, %scatter3A_467, %scatter3A_468] : memref<4x8x8x136xf32, #tpu.memory_space<vmem>> -> memref<1x8x8x136xf32, #tpu.memory_space<vmem>>
        %scatter3A_470 = tpu.memref_squeeze %scatter3A_469 : memref<1x8x8x136xf32, #tpu.memory_space<vmem>> -> memref<8x8x136xf32, #tpu.memory_space<vmem>>
        tpu.vector_store_idx %scatter3A_470[%shift_right_logical3A_75, %and3A_78, %broadcast_in_dim3A], %mul3A_464 : memref<8x8x136xf32, #tpu.memory_space<vmem>>[vector<16xi32>, vector<16xi32>, vector<16xi32>], vector<16xf32>,
        %get3A_471 = arith.constant 2 : i32
        %get3A_472 = arith.index_cast %get3A_471 : i32 to index
        %get3A_473 = arith.index_cast %scan3A_444 : i32 to index
        %get3A_474 = arith.constant 32 : index
        %get3A_475 = tpu.vector_load %arg6[%get3A_472, %get3A_473, %get3A_474] {strides = array<i32>} : memref<4x128x64xf32, #tpu.memory_space<vmem>>, vector<16xf32>,
        %mul3A_476 = arith.constant 8.000000e+00 : f32
        %mul3A_477 = vector.broadcast %mul3A_476 : f32 to vector<16xf32>
        %mul3A_478 = arith.mulf %get3A_475, %mul3A_477 : vector<16xf32>
        %scatter3A_479 = arith.constant 2 : i32
        %scatter3A_480 = arith.constant 0 : i32
        %scatter3A_481 = arith.constant 0 : i32
        %scatter3A_482 = arith.constant 0 : i32
        %scatter3A_483 = tpu.memref_slice %arg7[%scatter3A_479, %scatter3A_480, %scatter3A_481, %scatter3A_482] : memref<4x8x8x136xf32, #tpu.memory_space<vmem>> -> memref<1x8x8x136xf32, #tpu.memory_space<vmem>>
        %scatter3A_484 = tpu.memref_squeeze %scatter3A_483 : memref<1x8x8x136xf32, #tpu.memory_space<vmem>> -> memref<8x8x136xf32, #tpu.memory_space<vmem>>
        tpu.vector_store_idx %scatter3A_484[%shift_right_logical3A_85, %and3A_88, %broadcast_in_dim3A], %mul3A_478 : memref<8x8x136xf32, #tpu.memory_space<vmem>>[vector<16xi32>, vector<16xi32>, vector<16xi32>], vector<16xf32>,
        %get3A_485 = arith.constant 2 : i32
        %get3A_486 = arith.index_cast %get3A_485 : i32 to index
        %get3A_487 = arith.index_cast %scan3A_444 : i32 to index
        %get3A_488 = arith.constant 48 : index
        %get3A_489 = tpu.vector_load %arg6[%get3A_486, %get3A_487, %get3A_488] {strides = array<i32>} : memref<4x128x64xf32, #tpu.memory_space<vmem>>, vector<16xf32>,
        %mul3A_490 = arith.constant 8.000000e+00 : f32
        %mul3A_491 = vector.broadcast %mul3A_490 : f32 to vector<16xf32>
        %mul3A_492 = arith.mulf %get3A_489, %mul3A_491 : vector<16xf32>
        %scatter3A_493 = arith.constant 2 : i32
        %scatter3A_494 = arith.constant 0 : i32
        %scatter3A_495 = arith.constant 0 : i32
        %scatter3A_496 = arith.constant 0 : i32
        %scatter3A_497 = tpu.memref_slice %arg7[%scatter3A_493, %scatter3A_494, %scatter3A_495, %scatter3A_496] : memref<4x8x8x136xf32, #tpu.memory_space<vmem>> -> memref<1x8x8x136xf32, #tpu.memory_space<vmem>>
        %scatter3A_498 = tpu.memref_squeeze %scatter3A_497 : memref<1x8x8x136xf32, #tpu.memory_space<vmem>> -> memref<8x8x136xf32, #tpu.memory_space<vmem>>
        tpu.vector_store_idx %scatter3A_498[%shift_right_logical3A_95, %and3A_98, %broadcast_in_dim3A], %mul3A_492 : memref<8x8x136xf32, #tpu.memory_space<vmem>>[vector<16xi32>, vector<16xi32>, vector<16xi32>], vector<16xf32>,
      }
      %scan3A_352 = arith.constant 128 : i32
      %dma_start3A_353 = arith.constant 2 : i32
      %dma_start3A_354 = arith.constant 2 : i32
      %dma_start3A_355 = arith.constant 0 : i32
      %dma_start3A_356 = arith.constant 0 : i32
      %dma_start3A_357 = arith.constant 0 : i32
      %dma_start3A_358 = tpu.memref_slice %arg7[%dma_start3A_353, %dma_start3A_355, %dma_start3A_356, %dma_start3A_357] : memref<4x8x8x136xf32, #tpu.memory_space<vmem>> -> memref<1x8x8x128xf32, #tpu.memory_space<vmem>>
      %dma_start3A_359 = tpu.memref_squeeze %dma_start3A_358 : memref<1x8x8x128xf32, #tpu.memory_space<vmem>> -> memref<8x8x128xf32, #tpu.memory_space<vmem>>
      %dma_start3A_360 = arith.constant 0 : i32
      %dma_start3A_361 = arith.constant 0 : i32
      %dma_start3A_362 = arith.constant 0 : i32
      %dma_start3A_363 = tpu.memref_slice %arg4[%add3A_327, %dma_start3A_360, %add3A, %dma_start3A_361, %dma_start3A_362] : memref<200x8x32x8x128xf32, #tpu.memory_space<hbm>> -> memref<1x8x1x8x128xf32, #tpu.memory_space<hbm>>
      %dma_start3A_364 = tpu.memref_squeeze %dma_start3A_363 : memref<1x8x1x8x128xf32, #tpu.memory_space<hbm>> -> memref<8x8x128xf32, #tpu.memory_space<hbm>>
      %dma_start3A_365 = tpu.memref_slice %arg9[%dma_start3A_354] : memref<4x!tpu.dma_semaphore, #tpu.memory_space<semaphore_mem>> -> memref<1x!tpu.dma_semaphore, #tpu.memory_space<semaphore_mem>>
      %dma_start3A_366 = tpu.memref_squeeze %dma_start3A_365 : memref<1x!tpu.dma_semaphore, #tpu.memory_space<semaphore_mem>> -> memref<!tpu.dma_semaphore, #tpu.memory_space<semaphore_mem>>
      %dma_start3A_367 = arith.constant 0 : i32
      %dma_start3A_368 = arith.constant 0 : i32
      %dma_start3A_369 = arith.constant 0 : i32
      %dma_start3A_370 = tpu.memref_slice %arg4[%add3A_327, %dma_start3A_367, %add3A, %dma_start3A_368, %dma_start3A_369] : memref<200x8x32x8x128xf32, #tpu.memory_space<hbm>> -> memref<1x8x1x8x128xf32, #tpu.memory_space<hbm>>
      %dma_start3A_371 = tpu.memref_squeeze %dma_start3A_370 : memref<1x8x1x8x128xf32, #tpu.memory_space<hbm>> -> memref<8x8x128xf32, #tpu.memory_space<hbm>>
      %dma_start3A_372 = arith.constant 0 : i32
      %dma_start3A_373 = arith.constant 0 : i32
      %dma_start3A_374 = arith.constant 0 : i32
      %dma_start3A_375 = tpu.memref_slice %arg7[%dma_start3A_353, %dma_start3A_372, %dma_start3A_373, %dma_start3A_374] : memref<4x8x8x136xf32, #tpu.memory_space<vmem>> -> memref<1x8x8x128xf32, #tpu.memory_space<vmem>>
      %dma_start3A_376 = tpu.memref_squeeze %dma_start3A_375 : memref<1x8x8x128xf32, #tpu.memory_space<vmem>> -> memref<8x8x128xf32, #tpu.memory_space<vmem>>
      tpu.enqueue_dma source(%dma_start3A_376 : memref<8x8x128xf32, #tpu.memory_space<vmem>>) target(%dma_start3A_371 : memref<8x8x128xf32, #tpu.memory_space<hbm>>) target_semaphore(%dma_start3A_366 : memref<!tpu.dma_semaphore, #tpu.memory_space<semaphore_mem>>)
      %add3A_377 = arith.constant 4 : i32
      %add3A_378 = arith.addi %add3A_327, %add3A_377 : i32
      %lt3A_379 = arith.constant 200 : i32
      %lt3A_380 = arith.cmpi slt, %add3A_378, %lt3A_379 : i32
      %convert_element_type3A_381 = arith.extui %lt3A_380 : i1 to i32
      %cond3A_382 = arith.constant 0 : i32
      %cond3A_383 = arith.cmpi ne, %convert_element_type3A_381, %cond3A_382 : i32
      scf.if %cond3A_383 {
        %add3A_444 = arith.constant 4 : i32
        %add3A_445 = arith.addi %add3A_327, %add3A_444 : i32
        %dma_start3A_446 = arith.constant 2 : i32
        %dma_start3A_447 = arith.constant 2 : i32
        %dma_start3A_448 = arith.constant 0 : i32
        %dma_start3A_449 = arith.constant 0 : i32
        %dma_start3A_450 = tpu.memref_slice %arg6[%dma_start3A_446, %dma_start3A_448, %dma_start3A_449] : memref<4x128x64xf32, #tpu.memory_space<vmem>> -> memref<1x128x64xf32, #tpu.memory_space<vmem>>
        %dma_start3A_451 = tpu.memref_squeeze %dma_start3A_450 : memref<1x128x64xf32, #tpu.memory_space<vmem>> -> memref<128x64xf32, #tpu.memory_space<vmem>>
        %dma_start3A_452 = arith.constant 0 : i32
        %dma_start3A_453 = tpu.memref_slice %arg5[%add3A_445, %dma_start3A_452] : memref<200x128xi32, #tpu.memory_space<vmem>> -> memref<1x128xi32, #tpu.memory_space<vmem>>
        %dma_start3A_454 = tpu.memref_squeeze %dma_start3A_453 : memref<1x128xi32, #tpu.memory_space<vmem>> -> memref<128xi32, #tpu.memory_space<vmem>>
        %dma_start3A_455 = arith.constant 0 : i32
        %dma_start3A_456 = arith.constant 0 : i32
        %dma_start3A_457 = tpu.memref_slice %arg3[%dma_start3A_455, %dma_start3A_456] : memref<1000000x64xf32, #tpu.memory_space<hbm>> -> memref<1000000x64xf32, #tpu.memory_space<hbm>>
        %dma_start3A_458 = tpu.memref_slice %arg8[%dma_start3A_447] : memref<4x!tpu.dma_semaphore, #tpu.memory_space<semaphore_mem>> -> memref<1x!tpu.dma_semaphore, #tpu.memory_space<semaphore_mem>>
        %dma_start3A_459 = tpu.memref_squeeze %dma_start3A_458 : memref<1x!tpu.dma_semaphore, #tpu.memory_space<semaphore_mem>> -> memref<!tpu.dma_semaphore, #tpu.memory_space<semaphore_mem>>
        tpu.enqueue_indirect_dma source(%dma_start3A_457 : memref<1000000x64xf32, #tpu.memory_space<hbm>>) target(%dma_start3A_451 : memref<128x64xf32, #tpu.memory_space<vmem>>) offsets(%dma_start3A_454 : memref<128xi32, #tpu.memory_space<vmem>>) semaphore(%dma_start3A_459 : memref<!tpu.dma_semaphore, #tpu.memory_space<semaphore_mem>>)
      } else {
      }
      %mul3A_384 = arith.constant 4 : i32
      %mul3A_385 = arith.muli %scan3A_207, %mul3A_384 : i32
      %add3A_386 = arith.constant 3 : i32
      %add3A_387 = arith.addi %mul3A_385, %add3A_386 : i32
      %dma_wait3A_388 = arith.constant 3 : i32
      %dma_wait3A_389 = arith.constant 3 : i32
      %dma_wait3A_390 = arith.constant 0 : i32
      %dma_wait3A_391 = arith.constant 0 : i32
      %dma_wait3A_392 = tpu.memref_slice %arg6[%dma_wait3A_388, %dma_wait3A_390, %dma_wait3A_391] : memref<4x128x64xf32, #tpu.memory_space<vmem>> -> memref<1x128x64xf32, #tpu.memory_space<vmem>>
      %dma_wait3A_393 = tpu.memref_squeeze %dma_wait3A_392 : memref<1x128x64xf32, #tpu.memory_space<vmem>> -> memref<128x64xf32, #tpu.memory_space<vmem>>
      %dma_wait3A_394 = arith.constant 0 : i32
      %dma_wait3A_395 = tpu.memref_slice %arg5[%add3A_387, %dma_wait3A_394] : memref<200x128xi32, #tpu.memory_space<vmem>> -> memref<1x128xi32, #tpu.memory_space<vmem>>
      %dma_wait3A_396 = tpu.memref_squeeze %dma_wait3A_395 : memref<1x128xi32, #tpu.memory_space<vmem>> -> memref<128xi32, #tpu.memory_space<vmem>>
      %dma_wait3A_397 = arith.constant 0 : i32
      %dma_wait3A_398 = arith.constant 0 : i32
      %dma_wait3A_399 = tpu.memref_slice %arg3[%dma_wait3A_397, %dma_wait3A_398] : memref<1000000x64xf32, #tpu.memory_space<hbm>> -> memref<1000000x64xf32, #tpu.memory_space<hbm>>
      %dma_wait3A_400 = tpu.memref_slice %arg8[%dma_wait3A_389] : memref<4x!tpu.dma_semaphore, #tpu.memory_space<semaphore_mem>> -> memref<1x!tpu.dma_semaphore, #tpu.memory_space<semaphore_mem>>
      %dma_wait3A_401 = tpu.memref_squeeze %dma_wait3A_400 : memref<1x!tpu.dma_semaphore, #tpu.memory_space<semaphore_mem>> -> memref<!tpu.dma_semaphore, #tpu.memory_space<semaphore_mem>>
      tpu.wait_indirect_dma semaphore(%dma_wait3A_401 : memref<!tpu.dma_semaphore, #tpu.memory_space<semaphore_mem>>) src(%dma_wait3A_399 : memref<1000000x64xf32, #tpu.memory_space<hbm>>) dst(%dma_wait3A_393 : memref<128x64xf32, #tpu.memory_space<vmem>>)
      %gt3A_402 = arith.constant 0 : i32
      %gt3A_403 = arith.cmpi sgt, %scan3A_207, %gt3A_402 : i32
      %convert_element_type3A_404 = arith.extui %gt3A_403 : i1 to i32
      %cond3A_405 = arith.constant 0 : i32
      %cond3A_406 = arith.cmpi ne, %convert_element_type3A_404, %cond3A_405 : i32
      scf.if %cond3A_406 {
        %dma_wait3A_444 = arith.constant 3 : i32
        %dma_wait3A_445 = arith.constant 0 : i32
        %dma_wait3A_446 = arith.constant 0 : i32
        %dma_wait3A_447 = arith.constant 3 : i32
        %dma_wait3A_448 = arith.constant 0 : i32
        %dma_wait3A_449 = arith.constant 0 : i32
        %dma_wait3A_450 = arith.constant 0 : i32
        %dma_wait3A_451 = tpu.memref_slice %arg7[%dma_wait3A_444, %dma_wait3A_448, %dma_wait3A_449, %dma_wait3A_450] : memref<4x8x8x136xf32, #tpu.memory_space<vmem>> -> memref<1x8x8x128xf32, #tpu.memory_space<vmem>>
        %dma_wait3A_452 = tpu.memref_squeeze %dma_wait3A_451 : memref<1x8x8x128xf32, #tpu.memory_space<vmem>> -> memref<8x8x128xf32, #tpu.memory_space<vmem>>
        %dma_wait3A_453 = arith.constant 0 : i32
        %dma_wait3A_454 = arith.constant 0 : i32
        %dma_wait3A_455 = arith.constant 0 : i32
        %dma_wait3A_456 = tpu.memref_slice %arg4[%dma_wait3A_445, %dma_wait3A_453, %dma_wait3A_446, %dma_wait3A_454, %dma_wait3A_455] : memref<200x8x32x8x128xf32, #tpu.memory_space<hbm>> -> memref<1x8x1x8x128xf32, #tpu.memory_space<hbm>>
        %dma_wait3A_457 = tpu.memref_squeeze %dma_wait3A_456 : memref<1x8x1x8x128xf32, #tpu.memory_space<hbm>> -> memref<8x8x128xf32, #tpu.memory_space<hbm>>
        %dma_wait3A_458 = tpu.memref_slice %arg9[%dma_wait3A_447] : memref<4x!tpu.dma_semaphore, #tpu.memory_space<semaphore_mem>> -> memref<1x!tpu.dma_semaphore, #tpu.memory_space<semaphore_mem>>
        %dma_wait3A_459 = tpu.memref_squeeze %dma_wait3A_458 : memref<1x!tpu.dma_semaphore, #tpu.memory_space<semaphore_mem>> -> memref<!tpu.dma_semaphore, #tpu.memory_space<semaphore_mem>>
        %dma_wait3A_460 = arith.constant 0 : i32
        %dma_wait3A_461 = arith.constant 0 : i32
        %dma_wait3A_462 = arith.constant 0 : i32
        %dma_wait3A_463 = tpu.memref_slice %arg4[%dma_wait3A_445, %dma_wait3A_460, %dma_wait3A_446, %dma_wait3A_461, %dma_wait3A_462] : memref<200x8x32x8x128xf32, #tpu.memory_space<hbm>> -> memref<1x8x1x8x128xf32, #tpu.memory_space<hbm>>
        %dma_wait3A_464 = tpu.memref_squeeze %dma_wait3A_463 : memref<1x8x1x8x128xf32, #tpu.memory_space<hbm>> -> memref<8x8x128xf32, #tpu.memory_space<hbm>>
        %dma_wait3A_465 = arith.constant 0 : i32
        %dma_wait3A_466 = arith.constant 0 : i32
        %dma_wait3A_467 = arith.constant 0 : i32
        %dma_wait3A_468 = tpu.memref_slice %arg7[%dma_wait3A_444, %dma_wait3A_465, %dma_wait3A_466, %dma_wait3A_467] : memref<4x8x8x136xf32, #tpu.memory_space<vmem>> -> memref<1x8x8x128xf32, #tpu.memory_space<vmem>>
        %dma_wait3A_469 = tpu.memref_squeeze %dma_wait3A_468 : memref<1x8x8x128xf32, #tpu.memory_space<vmem>> -> memref<8x8x128xf32, #tpu.memory_space<vmem>>
        tpu.wait_dma2 semaphore(%dma_wait3A_459 : memref<!tpu.dma_semaphore, #tpu.memory_space<semaphore_mem>>) src(%dma_wait3A_469 : memref<8x8x128xf32, #tpu.memory_space<vmem>>) dst(%dma_wait3A_464 : memref<8x8x128xf32, #tpu.memory_space<hbm>>)
      } else {
      }
      %scan3A_407 = arith.constant 0 : i32
      %scan3A_408 = arith.constant 0 : i32
      %scan3A_409 = arith.constant 128 : i32
      %scan3A_410 = arith.addi %scan3A_408, %scan3A_409 : i32
      %scan3A_411 = arith.constant 1 : i32
      scf.for %scan3A_444 = %scan3A_408 to %scan3A_410 step %scan3A_411  : i32 {
        %broadcast_in_dim3A = vector.broadcast %scan3A_444 : i32 to vector<16xi32>
        %get3A = arith.constant 3 : i32
        %get3A_445 = arith.index_cast %get3A : i32 to index
        %get3A_446 = arith.index_cast %scan3A_444 : i32 to index
        %get3A_447 = arith.constant 0 : index
        %get3A_448 = tpu.vector_load %arg6[%get3A_445, %get3A_446, %get3A_447] {strides = array<i32>} : memref<4x128x64xf32, #tpu.memory_space<vmem>>, vector<16xf32>,
        %mul3A_449 = arith.constant 8.000000e+00 : f32
        %mul3A_450 = vector.broadcast %mul3A_449 : f32 to vector<16xf32>
        %mul3A_451 = arith.mulf %get3A_448, %mul3A_450 : vector<16xf32>
        %scatter3A = arith.constant 3 : i32
        %scatter3A_452 = arith.constant 0 : i32
        %scatter3A_453 = arith.constant 0 : i32
        %scatter3A_454 = arith.constant 0 : i32
        %scatter3A_455 = tpu.memref_slice %arg7[%scatter3A, %scatter3A_452, %scatter3A_453, %scatter3A_454] : memref<4x8x8x136xf32, #tpu.memory_space<vmem>> -> memref<1x8x8x136xf32, #tpu.memory_space<vmem>>
        %scatter3A_456 = tpu.memref_squeeze %scatter3A_455 : memref<1x8x8x136xf32, #tpu.memory_space<vmem>> -> memref<8x8x136xf32, #tpu.memory_space<vmem>>
        tpu.vector_store_idx %scatter3A_456[%shift_right_logical3A_66, %and3A_68, %broadcast_in_dim3A], %mul3A_451 : memref<8x8x136xf32, #tpu.memory_space<vmem>>[vector<16xi32>, vector<16xi32>, vector<16xi32>], vector<16xf32>,
        %get3A_457 = arith.constant 3 : i32
        %get3A_458 = arith.index_cast %get3A_457 : i32 to index
        %get3A_459 = arith.index_cast %scan3A_444 : i32 to index
        %get3A_460 = arith.constant 16 : index
        %get3A_461 = tpu.vector_load %arg6[%get3A_458, %get3A_459, %get3A_460] {strides = array<i32>} : memref<4x128x64xf32, #tpu.memory_space<vmem>>, vector<16xf32>,
        %mul3A_462 = arith.constant 8.000000e+00 : f32
        %mul3A_463 = vector.broadcast %mul3A_462 : f32 to vector<16xf32>
        %mul3A_464 = arith.mulf %get3A_461, %mul3A_463 : vector<16xf32>
        %scatter3A_465 = arith.constant 3 : i32
        %scatter3A_466 = arith.constant 0 : i32
        %scatter3A_467 = arith.constant 0 : i32
        %scatter3A_468 = arith.constant 0 : i32
        %scatter3A_469 = tpu.memref_slice %arg7[%scatter3A_465, %scatter3A_466, %scatter3A_467, %scatter3A_468] : memref<4x8x8x136xf32, #tpu.memory_space<vmem>> -> memref<1x8x8x136xf32, #tpu.memory_space<vmem>>
        %scatter3A_470 = tpu.memref_squeeze %scatter3A_469 : memref<1x8x8x136xf32, #tpu.memory_space<vmem>> -> memref<8x8x136xf32, #tpu.memory_space<vmem>>
        tpu.vector_store_idx %scatter3A_470[%shift_right_logical3A_75, %and3A_78, %broadcast_in_dim3A], %mul3A_464 : memref<8x8x136xf32, #tpu.memory_space<vmem>>[vector<16xi32>, vector<16xi32>, vector<16xi32>], vector<16xf32>,
        %get3A_471 = arith.constant 3 : i32
        %get3A_472 = arith.index_cast %get3A_471 : i32 to index
        %get3A_473 = arith.index_cast %scan3A_444 : i32 to index
        %get3A_474 = arith.constant 32 : index
        %get3A_475 = tpu.vector_load %arg6[%get3A_472, %get3A_473, %get3A_474] {strides = array<i32>} : memref<4x128x64xf32, #tpu.memory_space<vmem>>, vector<16xf32>,
        %mul3A_476 = arith.constant 8.000000e+00 : f32
        %mul3A_477 = vector.broadcast %mul3A_476 : f32 to vector<16xf32>
        %mul3A_478 = arith.mulf %get3A_475, %mul3A_477 : vector<16xf32>
        %scatter3A_479 = arith.constant 3 : i32
        %scatter3A_480 = arith.constant 0 : i32
        %scatter3A_481 = arith.constant 0 : i32
        %scatter3A_482 = arith.constant 0 : i32
        %scatter3A_483 = tpu.memref_slice %arg7[%scatter3A_479, %scatter3A_480, %scatter3A_481, %scatter3A_482] : memref<4x8x8x136xf32, #tpu.memory_space<vmem>> -> memref<1x8x8x136xf32, #tpu.memory_space<vmem>>
        %scatter3A_484 = tpu.memref_squeeze %scatter3A_483 : memref<1x8x8x136xf32, #tpu.memory_space<vmem>> -> memref<8x8x136xf32, #tpu.memory_space<vmem>>
        tpu.vector_store_idx %scatter3A_484[%shift_right_logical3A_85, %and3A_88, %broadcast_in_dim3A], %mul3A_478 : memref<8x8x136xf32, #tpu.memory_space<vmem>>[vector<16xi32>, vector<16xi32>, vector<16xi32>], vector<16xf32>,
        %get3A_485 = arith.constant 3 : i32
        %get3A_486 = arith.index_cast %get3A_485 : i32 to index
        %get3A_487 = arith.index_cast %scan3A_444 : i32 to index
        %get3A_488 = arith.constant 48 : index
        %get3A_489 = tpu.vector_load %arg6[%get3A_486, %get3A_487, %get3A_488] {strides = array<i32>} : memref<4x128x64xf32, #tpu.memory_space<vmem>>, vector<16xf32>,
        %mul3A_490 = arith.constant 8.000000e+00 : f32
        %mul3A_491 = vector.broadcast %mul3A_490 : f32 to vector<16xf32>
        %mul3A_492 = arith.mulf %get3A_489, %mul3A_491 : vector<16xf32>
        %scatter3A_493 = arith.constant 3 : i32
        %scatter3A_494 = arith.constant 0 : i32
        %scatter3A_495 = arith.constant 0 : i32
        %scatter3A_496 = arith.constant 0 : i32
        %scatter3A_497 = tpu.memref_slice %arg7[%scatter3A_493, %scatter3A_494, %scatter3A_495, %scatter3A_496] : memref<4x8x8x136xf32, #tpu.memory_space<vmem>> -> memref<1x8x8x136xf32, #tpu.memory_space<vmem>>
        %scatter3A_498 = tpu.memref_squeeze %scatter3A_497 : memref<1x8x8x136xf32, #tpu.memory_space<vmem>> -> memref<8x8x136xf32, #tpu.memory_space<vmem>>
        tpu.vector_store_idx %scatter3A_498[%shift_right_logical3A_95, %and3A_98, %broadcast_in_dim3A], %mul3A_492 : memref<8x8x136xf32, #tpu.memory_space<vmem>>[vector<16xi32>, vector<16xi32>, vector<16xi32>], vector<16xf32>,
      }
      %scan3A_412 = arith.constant 128 : i32
      %dma_start3A_413 = arith.constant 3 : i32
      %dma_start3A_414 = arith.constant 3 : i32
      %dma_start3A_415 = arith.constant 0 : i32
      %dma_start3A_416 = arith.constant 0 : i32
      %dma_start3A_417 = arith.constant 0 : i32
      %dma_start3A_418 = tpu.memref_slice %arg7[%dma_start3A_413, %dma_start3A_415, %dma_start3A_416, %dma_start3A_417] : memref<4x8x8x136xf32, #tpu.memory_space<vmem>> -> memref<1x8x8x128xf32, #tpu.memory_space<vmem>>
      %dma_start3A_419 = tpu.memref_squeeze %dma_start3A_418 : memref<1x8x8x128xf32, #tpu.memory_space<vmem>> -> memref<8x8x128xf32, #tpu.memory_space<vmem>>
      %dma_start3A_420 = arith.constant 0 : i32
      %dma_start3A_421 = arith.constant 0 : i32
      %dma_start3A_422 = arith.constant 0 : i32
      %dma_start3A_423 = tpu.memref_slice %arg4[%add3A_387, %dma_start3A_420, %add3A, %dma_start3A_421, %dma_start3A_422] : memref<200x8x32x8x128xf32, #tpu.memory_space<hbm>> -> memref<1x8x1x8x128xf32, #tpu.memory_space<hbm>>
      %dma_start3A_424 = tpu.memref_squeeze %dma_start3A_423 : memref<1x8x1x8x128xf32, #tpu.memory_space<hbm>> -> memref<8x8x128xf32, #tpu.memory_space<hbm>>
      %dma_start3A_425 = tpu.memref_slice %arg9[%dma_start3A_414] : memref<4x!tpu.dma_semaphore, #tpu.memory_space<semaphore_mem>> -> memref<1x!tpu.dma_semaphore, #tpu.memory_space<semaphore_mem>>
      %dma_start3A_426 = tpu.memref_squeeze %dma_start3A_425 : memref<1x!tpu.dma_semaphore, #tpu.memory_space<semaphore_mem>> -> memref<!tpu.dma_semaphore, #tpu.memory_space<semaphore_mem>>
      %dma_start3A_427 = arith.constant 0 : i32
      %dma_start3A_428 = arith.constant 0 : i32
      %dma_start3A_429 = arith.constant 0 : i32
      %dma_start3A_430 = tpu.memref_slice %arg4[%add3A_387, %dma_start3A_427, %add3A, %dma_start3A_428, %dma_start3A_429] : memref<200x8x32x8x128xf32, #tpu.memory_space<hbm>> -> memref<1x8x1x8x128xf32, #tpu.memory_space<hbm>>
      %dma_start3A_431 = tpu.memref_squeeze %dma_start3A_430 : memref<1x8x1x8x128xf32, #tpu.memory_space<hbm>> -> memref<8x8x128xf32, #tpu.memory_space<hbm>>
      %dma_start3A_432 = arith.constant 0 : i32
      %dma_start3A_433 = arith.constant 0 : i32
      %dma_start3A_434 = arith.constant 0 : i32
      %dma_start3A_435 = tpu.memref_slice %arg7[%dma_start3A_413, %dma_start3A_432, %dma_start3A_433, %dma_start3A_434] : memref<4x8x8x136xf32, #tpu.memory_space<vmem>> -> memref<1x8x8x128xf32, #tpu.memory_space<vmem>>
      %dma_start3A_436 = tpu.memref_squeeze %dma_start3A_435 : memref<1x8x8x128xf32, #tpu.memory_space<vmem>> -> memref<8x8x128xf32, #tpu.memory_space<vmem>>
      tpu.enqueue_dma source(%dma_start3A_436 : memref<8x8x128xf32, #tpu.memory_space<vmem>>) target(%dma_start3A_431 : memref<8x8x128xf32, #tpu.memory_space<hbm>>) target_semaphore(%dma_start3A_426 : memref<!tpu.dma_semaphore, #tpu.memory_space<semaphore_mem>>)
      %add3A_437 = arith.constant 4 : i32
      %add3A_438 = arith.addi %add3A_387, %add3A_437 : i32
      %lt3A_439 = arith.constant 200 : i32
      %lt3A_440 = arith.cmpi slt, %add3A_438, %lt3A_439 : i32
      %convert_element_type3A_441 = arith.extui %lt3A_440 : i1 to i32
      %cond3A_442 = arith.constant 0 : i32
      %cond3A_443 = arith.cmpi ne, %convert_element_type3A_441, %cond3A_442 : i32
      scf.if %cond3A_443 {
        %add3A_444 = arith.constant 4 : i32
        %add3A_445 = arith.addi %add3A_387, %add3A_444 : i32
        %dma_start3A_446 = arith.constant 3 : i32
        %dma_start3A_447 = arith.constant 3 : i32
        %dma_start3A_448 = arith.constant 0 : i32
        %dma_start3A_449 = arith.constant 0 : i32
        %dma_start3A_450 = tpu.memref_slice %arg6[%dma_start3A_446, %dma_start3A_448, %dma_start3A_449] : memref<4x128x64xf32, #tpu.memory_space<vmem>> -> memref<1x128x64xf32, #tpu.memory_space<vmem>>
        %dma_start3A_451 = tpu.memref_squeeze %dma_start3A_450 : memref<1x128x64xf32, #tpu.memory_space<vmem>> -> memref<128x64xf32, #tpu.memory_space<vmem>>
        %dma_start3A_452 = arith.constant 0 : i32
        %dma_start3A_453 = tpu.memref_slice %arg5[%add3A_445, %dma_start3A_452] : memref<200x128xi32, #tpu.memory_space<vmem>> -> memref<1x128xi32, #tpu.memory_space<vmem>>
        %dma_start3A_454 = tpu.memref_squeeze %dma_start3A_453 : memref<1x128xi32, #tpu.memory_space<vmem>> -> memref<128xi32, #tpu.memory_space<vmem>>
        %dma_start3A_455 = arith.constant 0 : i32
        %dma_start3A_456 = arith.constant 0 : i32
        %dma_start3A_457 = tpu.memref_slice %arg3[%dma_start3A_455, %dma_start3A_456] : memref<1000000x64xf32, #tpu.memory_space<hbm>> -> memref<1000000x64xf32, #tpu.memory_space<hbm>>
        %dma_start3A_458 = tpu.memref_slice %arg8[%dma_start3A_447] : memref<4x!tpu.dma_semaphore, #tpu.memory_space<semaphore_mem>> -> memref<1x!tpu.dma_semaphore, #tpu.memory_space<semaphore_mem>>
        %dma_start3A_459 = tpu.memref_squeeze %dma_start3A_458 : memref<1x!tpu.dma_semaphore, #tpu.memory_space<semaphore_mem>> -> memref<!tpu.dma_semaphore, #tpu.memory_space<semaphore_mem>>
        tpu.enqueue_indirect_dma source(%dma_start3A_457 : memref<1000000x64xf32, #tpu.memory_space<hbm>>) target(%dma_start3A_451 : memref<128x64xf32, #tpu.memory_space<vmem>>) offsets(%dma_start3A_454 : memref<128xi32, #tpu.memory_space<vmem>>) semaphore(%dma_start3A_459 : memref<!tpu.dma_semaphore, #tpu.memory_space<semaphore_mem>>)
      } else {
      }
    }
    %scan3A_103 = arith.constant 50 : i32
    %dma_wait3A = arith.constant 0 : i32
    %dma_wait3A_104 = arith.constant 0 : i32
    %dma_wait3A_105 = arith.constant 0 : i32
    %dma_wait3A_106 = arith.constant 0 : i32
    %dma_wait3A_107 = arith.constant 0 : i32
    %dma_wait3A_108 = arith.constant 0 : i32
    %dma_wait3A_109 = arith.constant 0 : i32
    %dma_wait3A_110 = tpu.memref_slice %arg7[%dma_wait3A, %dma_wait3A_107, %dma_wait3A_108, %dma_wait3A_109] : memref<4x8x8x136xf32, #tpu.memory_space<vmem>> -> memref<1x8x8x128xf32, #tpu.memory_space<vmem>>
    %dma_wait3A_111 = tpu.memref_squeeze %dma_wait3A_110 : memref<1x8x8x128xf32, #tpu.memory_space<vmem>> -> memref<8x8x128xf32, #tpu.memory_space<vmem>>
    %dma_wait3A_112 = arith.constant 0 : i32
    %dma_wait3A_113 = arith.constant 0 : i32
    %dma_wait3A_114 = arith.constant 0 : i32
    %dma_wait3A_115 = tpu.memref_slice %arg4[%dma_wait3A_104, %dma_wait3A_112, %dma_wait3A_105, %dma_wait3A_113, %dma_wait3A_114] : memref<200x8x32x8x128xf32, #tpu.memory_space<hbm>> -> memref<1x8x1x8x128xf32, #tpu.memory_space<hbm>>
    %dma_wait3A_116 = tpu.memref_squeeze %dma_wait3A_115 : memref<1x8x1x8x128xf32, #tpu.memory_space<hbm>> -> memref<8x8x128xf32, #tpu.memory_space<hbm>>
    %dma_wait3A_117 = tpu.memref_slice %arg9[%dma_wait3A_106] : memref<4x!tpu.dma_semaphore, #tpu.memory_space<semaphore_mem>> -> memref<1x!tpu.dma_semaphore, #tpu.memory_space<semaphore_mem>>
    %dma_wait3A_118 = tpu.memref_squeeze %dma_wait3A_117 : memref<1x!tpu.dma_semaphore, #tpu.memory_space<semaphore_mem>> -> memref<!tpu.dma_semaphore, #tpu.memory_space<semaphore_mem>>
    %dma_wait3A_119 = arith.constant 0 : i32
    %dma_wait3A_120 = arith.constant 0 : i32
    %dma_wait3A_121 = arith.constant 0 : i32
    %dma_wait3A_122 = tpu.memref_slice %arg4[%dma_wait3A_104, %dma_wait3A_119, %dma_wait3A_105, %dma_wait3A_120, %dma_wait3A_121] : memref<200x8x32x8x128xf32, #tpu.memory_space<hbm>> -> memref<1x8x1x8x128xf32, #tpu.memory_space<hbm>>
    %dma_wait3A_123 = tpu.memref_squeeze %dma_wait3A_122 : memref<1x8x1x8x128xf32, #tpu.memory_space<hbm>> -> memref<8x8x128xf32, #tpu.memory_space<hbm>>
    %dma_wait3A_124 = arith.constant 0 : i32
    %dma_wait3A_125 = arith.constant 0 : i32
    %dma_wait3A_126 = arith.constant 0 : i32
    %dma_wait3A_127 = tpu.memref_slice %arg7[%dma_wait3A, %dma_wait3A_124, %dma_wait3A_125, %dma_wait3A_126] : memref<4x8x8x136xf32, #tpu.memory_space<vmem>> -> memref<1x8x8x128xf32, #tpu.memory_space<vmem>>
    %dma_wait3A_128 = tpu.memref_squeeze %dma_wait3A_127 : memref<1x8x8x128xf32, #tpu.memory_space<vmem>> -> memref<8x8x128xf32, #tpu.memory_space<vmem>>
    tpu.wait_dma2 semaphore(%dma_wait3A_118 : memref<!tpu.dma_semaphore, #tpu.memory_space<semaphore_mem>>) src(%dma_wait3A_128 : memref<8x8x128xf32, #tpu.memory_space<vmem>>) dst(%dma_wait3A_123 : memref<8x8x128xf32, #tpu.memory_space<hbm>>)
    %dma_wait3A_129 = arith.constant 1 : i32
    %dma_wait3A_130 = arith.constant 0 : i32
    %dma_wait3A_131 = arith.constant 0 : i32
    %dma_wait3A_132 = arith.constant 1 : i32
    %dma_wait3A_133 = arith.constant 0 : i32
    %dma_wait3A_134 = arith.constant 0 : i32
    %dma_wait3A_135 = arith.constant 0 : i32
    %dma_wait3A_136 = tpu.memref_slice %arg7[%dma_wait3A_129, %dma_wait3A_133, %dma_wait3A_134, %dma_wait3A_135] : memref<4x8x8x136xf32, #tpu.memory_space<vmem>> -> memref<1x8x8x128xf32, #tpu.memory_space<vmem>>
    %dma_wait3A_137 = tpu.memref_squeeze %dma_wait3A_136 : memref<1x8x8x128xf32, #tpu.memory_space<vmem>> -> memref<8x8x128xf32, #tpu.memory_space<vmem>>
    %dma_wait3A_138 = arith.constant 0 : i32
    %dma_wait3A_139 = arith.constant 0 : i32
    %dma_wait3A_140 = arith.constant 0 : i32
    %dma_wait3A_141 = tpu.memref_slice %arg4[%dma_wait3A_130, %dma_wait3A_138, %dma_wait3A_131, %dma_wait3A_139, %dma_wait3A_140] : memref<200x8x32x8x128xf32, #tpu.memory_space<hbm>> -> memref<1x8x1x8x128xf32, #tpu.memory_space<hbm>>
    %dma_wait3A_142 = tpu.memref_squeeze %dma_wait3A_141 : memref<1x8x1x8x128xf32, #tpu.memory_space<hbm>> -> memref<8x8x128xf32, #tpu.memory_space<hbm>>
    %dma_wait3A_143 = tpu.memref_slice %arg9[%dma_wait3A_132] : memref<4x!tpu.dma_semaphore, #tpu.memory_space<semaphore_mem>> -> memref<1x!tpu.dma_semaphore, #tpu.memory_space<semaphore_mem>>
    %dma_wait3A_144 = tpu.memref_squeeze %dma_wait3A_143 : memref<1x!tpu.dma_semaphore, #tpu.memory_space<semaphore_mem>> -> memref<!tpu.dma_semaphore, #tpu.memory_space<semaphore_mem>>
    %dma_wait3A_145 = arith.constant 0 : i32
    %dma_wait3A_146 = arith.constant 0 : i32
    %dma_wait3A_147 = arith.constant 0 : i32
    %dma_wait3A_148 = tpu.memref_slice %arg4[%dma_wait3A_130, %dma_wait3A_145, %dma_wait3A_131, %dma_wait3A_146, %dma_wait3A_147] : memref<200x8x32x8x128xf32, #tpu.memory_space<hbm>> -> memref<1x8x1x8x128xf32, #tpu.memory_space<hbm>>
    %dma_wait3A_149 = tpu.memref_squeeze %dma_wait3A_148 : memref<1x8x1x8x128xf32, #tpu.memory_space<hbm>> -> memref<8x8x128xf32, #tpu.memory_space<hbm>>
    %dma_wait3A_150 = arith.constant 0 : i32
    %dma_wait3A_151 = arith.constant 0 : i32
    %dma_wait3A_152 = arith.constant 0 : i32
    %dma_wait3A_153 = tpu.memref_slice %arg7[%dma_wait3A_129, %dma_wait3A_150, %dma_wait3A_151, %dma_wait3A_152] : memref<4x8x8x136xf32, #tpu.memory_space<vmem>> -> memref<1x8x8x128xf32, #tpu.memory_space<vmem>>
    %dma_wait3A_154 = tpu.memref_squeeze %dma_wait3A_153 : memref<1x8x8x128xf32, #tpu.memory_space<vmem>> -> memref<8x8x128xf32, #tpu.memory_space<vmem>>
    tpu.wait_dma2 semaphore(%dma_wait3A_144 : memref<!tpu.dma_semaphore, #tpu.memory_space<semaphore_mem>>) src(%dma_wait3A_154 : memref<8x8x128xf32, #tpu.memory_space<vmem>>) dst(%dma_wait3A_149 : memref<8x8x128xf32, #tpu.memory_space<hbm>>)
    %dma_wait3A_155 = arith.constant 2 : i32
    %dma_wait3A_156 = arith.constant 0 : i32
    %dma_wait3A_157 = arith.constant 0 : i32
    %dma_wait3A_158 = arith.constant 2 : i32
    %dma_wait3A_159 = arith.constant 0 : i32
    %dma_wait3A_160 = arith.constant 0 : i32
    %dma_wait3A_161 = arith.constant 0 : i32
    %dma_wait3A_162 = tpu.memref_slice %arg7[%dma_wait3A_155, %dma_wait3A_159, %dma_wait3A_160, %dma_wait3A_161] : memref<4x8x8x136xf32, #tpu.memory_space<vmem>> -> memref<1x8x8x128xf32, #tpu.memory_space<vmem>>
    %dma_wait3A_163 = tpu.memref_squeeze %dma_wait3A_162 : memref<1x8x8x128xf32, #tpu.memory_space<vmem>> -> memref<8x8x128xf32, #tpu.memory_space<vmem>>
    %dma_wait3A_164 = arith.constant 0 : i32
    %dma_wait3A_165 = arith.constant 0 : i32
    %dma_wait3A_166 = arith.constant 0 : i32
    %dma_wait3A_167 = tpu.memref_slice %arg4[%dma_wait3A_156, %dma_wait3A_164, %dma_wait3A_157, %dma_wait3A_165, %dma_wait3A_166] : memref<200x8x32x8x128xf32, #tpu.memory_space<hbm>> -> memref<1x8x1x8x128xf32, #tpu.memory_space<hbm>>
    %dma_wait3A_168 = tpu.memref_squeeze %dma_wait3A_167 : memref<1x8x1x8x128xf32, #tpu.memory_space<hbm>> -> memref<8x8x128xf32, #tpu.memory_space<hbm>>
    %dma_wait3A_169 = tpu.memref_slice %arg9[%dma_wait3A_158] : memref<4x!tpu.dma_semaphore, #tpu.memory_space<semaphore_mem>> -> memref<1x!tpu.dma_semaphore, #tpu.memory_space<semaphore_mem>>
    %dma_wait3A_170 = tpu.memref_squeeze %dma_wait3A_169 : memref<1x!tpu.dma_semaphore, #tpu.memory_space<semaphore_mem>> -> memref<!tpu.dma_semaphore, #tpu.memory_space<semaphore_mem>>
    %dma_wait3A_171 = arith.constant 0 : i32
    %dma_wait3A_172 = arith.constant 0 : i32
    %dma_wait3A_173 = arith.constant 0 : i32
    %dma_wait3A_174 = tpu.memref_slice %arg4[%dma_wait3A_156, %dma_wait3A_171, %dma_wait3A_157, %dma_wait3A_172, %dma_wait3A_173] : memref<200x8x32x8x128xf32, #tpu.memory_space<hbm>> -> memref<1x8x1x8x128xf32, #tpu.memory_space<hbm>>
    %dma_wait3A_175 = tpu.memref_squeeze %dma_wait3A_174 : memref<1x8x1x8x128xf32, #tpu.memory_space<hbm>> -> memref<8x8x128xf32, #tpu.memory_space<hbm>>
    %dma_wait3A_176 = arith.constant 0 : i32
    %dma_wait3A_177 = arith.constant 0 : i32
    %dma_wait3A_178 = arith.constant 0 : i32
    %dma_wait3A_179 = tpu.memref_slice %arg7[%dma_wait3A_155, %dma_wait3A_176, %dma_wait3A_177, %dma_wait3A_178] : memref<4x8x8x136xf32, #tpu.memory_space<vmem>> -> memref<1x8x8x128xf32, #tpu.memory_space<vmem>>
    %dma_wait3A_180 = tpu.memref_squeeze %dma_wait3A_179 : memref<1x8x8x128xf32, #tpu.memory_space<vmem>> -> memref<8x8x128xf32, #tpu.memory_space<vmem>>
    tpu.wait_dma2 semaphore(%dma_wait3A_170 : memref<!tpu.dma_semaphore, #tpu.memory_space<semaphore_mem>>) src(%dma_wait3A_180 : memref<8x8x128xf32, #tpu.memory_space<vmem>>) dst(%dma_wait3A_175 : memref<8x8x128xf32, #tpu.memory_space<hbm>>)
    %dma_wait3A_181 = arith.constant 3 : i32
    %dma_wait3A_182 = arith.constant 0 : i32
    %dma_wait3A_183 = arith.constant 0 : i32
    %dma_wait3A_184 = arith.constant 3 : i32
    %dma_wait3A_185 = arith.constant 0 : i32
    %dma_wait3A_186 = arith.constant 0 : i32
    %dma_wait3A_187 = arith.constant 0 : i32
    %dma_wait3A_188 = tpu.memref_slice %arg7[%dma_wait3A_181, %dma_wait3A_185, %dma_wait3A_186, %dma_wait3A_187] : memref<4x8x8x136xf32, #tpu.memory_space<vmem>> -> memref<1x8x8x128xf32, #tpu.memory_space<vmem>>
    %dma_wait3A_189 = tpu.memref_squeeze %dma_wait3A_188 : memref<1x8x8x128xf32, #tpu.memory_space<vmem>> -> memref<8x8x128xf32, #tpu.memory_space<vmem>>
    %dma_wait3A_190 = arith.constant 0 : i32
    %dma_wait3A_191 = arith.constant 0 : i32
    %dma_wait3A_192 = arith.constant 0 : i32
    %dma_wait3A_193 = tpu.memref_slice %arg4[%dma_wait3A_182, %dma_wait3A_190, %dma_wait3A_183, %dma_wait3A_191, %dma_wait3A_192] : memref<200x8x32x8x128xf32, #tpu.memory_space<hbm>> -> memref<1x8x1x8x128xf32, #tpu.memory_space<hbm>>
    %dma_wait3A_194 = tpu.memref_squeeze %dma_wait3A_193 : memref<1x8x1x8x128xf32, #tpu.memory_space<hbm>> -> memref<8x8x128xf32, #tpu.memory_space<hbm>>
    %dma_wait3A_195 = tpu.memref_slice %arg9[%dma_wait3A_184] : memref<4x!tpu.dma_semaphore, #tpu.memory_space<semaphore_mem>> -> memref<1x!tpu.dma_semaphore, #tpu.memory_space<semaphore_mem>>
    %dma_wait3A_196 = tpu.memref_squeeze %dma_wait3A_195 : memref<1x!tpu.dma_semaphore, #tpu.memory_space<semaphore_mem>> -> memref<!tpu.dma_semaphore, #tpu.memory_space<semaphore_mem>>
    %dma_wait3A_197 = arith.constant 0 : i32
    %dma_wait3A_198 = arith.constant 0 : i32
    %dma_wait3A_199 = arith.constant 0 : i32
    %dma_wait3A_200 = tpu.memref_slice %arg4[%dma_wait3A_182, %dma_wait3A_197, %dma_wait3A_183, %dma_wait3A_198, %dma_wait3A_199] : memref<200x8x32x8x128xf32, #tpu.memory_space<hbm>> -> memref<1x8x1x8x128xf32, #tpu.memory_space<hbm>>
    %dma_wait3A_201 = tpu.memref_squeeze %dma_wait3A_200 : memref<1x8x1x8x128xf32, #tpu.memory_space<hbm>> -> memref<8x8x128xf32, #tpu.memory_space<hbm>>
    %dma_wait3A_202 = arith.constant 0 : i32
    %dma_wait3A_203 = arith.constant 0 : i32
    %dma_wait3A_204 = arith.constant 0 : i32
    %dma_wait3A_205 = tpu.memref_slice %arg7[%dma_wait3A_181, %dma_wait3A_202, %dma_wait3A_203, %dma_wait3A_204] : memref<4x8x8x136xf32, #tpu.memory_space<vmem>> -> memref<1x8x8x128xf32, #tpu.memory_space<vmem>>
    %dma_wait3A_206 = tpu.memref_squeeze %dma_wait3A_205 : memref<1x8x8x128xf32, #tpu.memory_space<vmem>> -> memref<8x8x128xf32, #tpu.memory_space<vmem>>
    tpu.wait_dma2 semaphore(%dma_wait3A_196 : memref<!tpu.dma_semaphore, #tpu.memory_space<semaphore_mem>>) src(%dma_wait3A_206 : memref<8x8x128xf32, #tpu.memory_space<vmem>>) dst(%dma_wait3A_201 : memref<8x8x128xf32, #tpu.memory_space<hbm>>)
    return
  }
}

</mosaic_0001>

<sc_bundles>
// kernel: kernel.3.cloned.1.call-start
scs
__scs_entry_jumppad:
0x0: {  	(pc) =	sbr.rel $0x88, $3  }
0x1: {  	(tag) =	ssettag $0x0;
	lr =	simm.s32 $0x1  }
0x2: {  	[smem:$0x3F9F] =	sst lr;
	_ =	strace $0xD0000000  }
0x3: {  	_ = 	snop  }
0x4: {  	_ = 	snop  }
0x5: {  	_ = 	snop  }
0x6: {  	_ = 	snop  }
0x7: {  	_ = 	snop  }
__scs_overlays_trampoline_lowered:
0x8: {  	[smem:$0x3FAE] =	sst s0  }
0x9: {  	[smem:$0x3FAF] =	sst s1  }
0xa: {  	[smem:$0x3FB0] =	sst s2  }
0xb: {  	[smem:$0x3FB1] =	sst s3  }
0xc: {  	[smem:$0x3FB2] =	sst s4  }
0xd: {  	[smem:$0x3FB3] =	sst s5  }
0xe: {  	[smem:$0x3FB4] =	sst s6  }
0xf: {  	[smem:$0x3FB5] =	sst s7  }
0x10: {  	[smem:$0x3FB6] =	sst s8  }
0x11: {  	[smem:$0x3FB7] =	sst s9;
	s0 =	simm.s32 @!p0 $0x0  }
0x12: {  	s1 =	sld [smem:$0x3F9D];
	s0 =	simm.s32 @p0 $0x1  }
0x13: {  	[smem:$0x3FB8] =	sst s0;
	s0 =	simm.s32 @!p1 $0x0  }
0x14: {  	s2 =	sld [smem:$0x3F9C];
	s0 =	simm.s32 @p1 $0x1  }
0x15: {  	[smem:$0x3FB9] =	sst s0;
	s0 =	simm.s32 @!p2 $0x0  }
0x16: {  	s3 =	sld [smem:$0x3FDB];
	s0 =	simm.s32 @p2 $0x1  }
0x17: {  	s4 =	simm.s32 $0x1BF5;
	[smem:$0x3FBB] =	sst s0  }
0x18: {  	s0 =	sld [smem:$0x3F9E];
	_ =	swait.ge [sflag:s4], $0x0  }
0x19: {  	s7 =	sld [smem:$0x3F9F]  }
0x1a: {  	s8 =	sadd.s32 $0xFFFFE003, lr  }
0x1b: {  	s9 =	sadd.s32 $0xFFFFFEF7, lr;
	s5 =	simm.s32 $0xFFFFFFFF;
	p2 =	slt.u32 s8, $0xFFFFF086  }
0x1c: {  	p1 =	slt.u32 s9, $0xF7A;
	s5 =	simm.s32 @!p2 $0x0  }
0x1d: {  	s5 =	simm.s32 @p1 $0x1;
	p0 =	seq.s32 s7, s2  }
0x1e: {  	s7 =	smul.u32 @!p0 $0xF7A, s2;
	p2 =	seq.s32 @!p0 s5, $0x0  }
0x1f: {  	s9 =	smul.u32 $0xF7A, s1;
	s8 =	simm.s32 @!p0 $0x1BF5;
	p2 =	por !p2, p0  }
0x20: {  	[sflag:s8] =	ssyncset.s32 @!p0 $0xFFFFF086;
	s6 =	sadd.s32 @!p0 s3, s7;
	s7 =	simm.s32 @!p0 $0x108  }
0x21: {  	s3 =	sadd.s32 s3, s9;
	s6 =	sadd.s32 @!p0 $0x88, s6;
	s7 =	simm.s32 @p2 $0x1082  }
0x22: {  	[simem:s7], [sflag:s8] =	dma.local @!p0 [hbm:s6], $0xF7A  }
0x23: {  	s9 =	sor.u32 $0xD0000000, s2;
	s6 =	simm.s32 $0x108;
	_ =	swait.ge @!p0 [sflag:s8], $0x0  }
0x24: {  	s3 =	sadd.s32 $0x88, s3;
	s6 =	simm.s32 @!p1 $0x1082;
	[sflag:s4] =	ssyncset.s32 $0xFFFFF086  }
0x25: {  	[simem:s6], [sflag:s4] =	dma.local [hbm:s3], $0xF7A  }
0x26: {  	[smem:$0x3F9F] =	sst s1;
	(tag) =	ssettag s2;
	_ =	strace s9  }
0x27: {  	s1 =	sld [smem:$0x3FAF]  }
0x28: {  	s2 =	sld [smem:$0x3FB0]  }
0x29: {  	s4 =	sld [smem:$0x3FB2]  }
0x2a: {  	p0 =	seq.s32 s5, $0x0;
	s5 =	sld [smem:$0x3FB3]  }
0x2b: {  	s6 =	sld [smem:$0x3FB4]  }
0x2c: {  	s7 =	sld [smem:$0x3FB5]  }
0x2d: {  	s3 =	simm.s32 $0x108;
	s8 =	sld [smem:$0x3FB6]  }
0x2e: {  	s3 =	simm.s32 @!p0 $0x1082;
	s9 =	sld [smem:$0x3FB7]  }
0x2f: {  	lr =	sadd.s32 s0, s3;
	s0 =	sld [smem:$0x3FAE]  }
0x30: {  	s3 =	sld [smem:$0x3FB1]  }
0x31: {  	[smem:$0x3FBA] =	sst s10  }
0x32: {  	s10 =	sld [smem:$0x3FB8];
	_ =	sdelay $0x3  }
0x33: {  	p0 =	seq.s32 s10, $0x1;
	s10 =	sld [smem:$0x3FBA];
	_ =	sdelay $0x3  }
0x34: {  	[smem:$0x3FBA] =	sst s10  }
0x35: {  	s10 =	sld [smem:$0x3FB9];
	_ =	sdelay $0x3  }
0x36: {  	p1 =	seq.s32 s10, $0x1;
	s10 =	sld [smem:$0x3FBA];
	_ =	sdelay $0x3  }
0x37: {  	[smem:$0x3FBA] =	sst s10  }
0x38: {  	s10 =	sld [smem:$0x3FBB]  }
0x39: {  	_ = 	snop;
	(pc) =	sbr.ind lr, $3  }
0x3a: {  	_ = 	snop  }
0x3b: {  	_ = 	snop  }
0x3c: {  	p2 =	seq.s32 s10, $0x1;
	s10 =	sld [smem:$0x3FBA]  }
0x3d: {  	_ =	shalt  }
0x3e: {  	_ =	shalt  }
0x3f: {  	_ =	shalt  }
0x40: {  	_ =	shalt  }
0x41: {  	_ =	shalt  }
0x42: {  	_ =	shalt  }
0x43: {  	_ =	shalt  }
0x44: {  	_ =	shalt  }
0x45: {  	_ =	shalt  }
0x46: {  	_ =	shalt  }
0x47: {  	_ =	shalt  }
0x48: {  	_ =	shalt  }
0x49: {  	_ =	shalt  }
0x4a: {  	_ =	shalt  }
0x4b: {  	_ =	shalt  }
0x4c: {  	_ =	shalt  }
0x4d: {  	_ =	shalt  }
0x4e: {  	_ =	shalt  }
0x4f: {  	_ =	shalt  }
0x50: {  	_ =	shalt  }
0x51: {  	_ =	shalt  }
0x52: {  	_ =	shalt  }
0x53: {  	_ =	shalt  }
0x54: {  	_ =	shalt  }
0x55: {  	_ =	shalt  }
0x56: {  	_ =	shalt  }
0x57: {  	_ =	shalt  }
0x58: {  	_ =	shalt  }
0x59: {  	_ =	shalt  }
0x5a: {  	_ =	shalt  }
0x5b: {  	_ =	shalt  }
0x5c: {  	_ =	shalt  }
0x5d: {  	_ =	shalt  }
0x5e: {  	_ =	shalt  }
0x5f: {  	_ =	shalt  }
0x60: {  	_ =	shalt  }
0x61: {  	_ =	shalt  }
0x62: {  	_ =	shalt  }
0x63: {  	_ =	shalt  }
0x64: {  	_ =	shalt  }
0x65: {  	_ =	shalt  }
0x66: {  	_ =	shalt  }
0x67: {  	_ =	shalt  }
0x68: {  	_ =	shalt  }
0x69: {  	_ =	shalt  }
0x6a: {  	_ =	shalt  }
0x6b: {  	_ =	shalt  }
0x6c: {  	_ =	shalt  }
0x6d: {  	_ =	shalt  }
0x6e: {  	_ =	shalt  }
0x6f: {  	_ =	shalt  }
0x70: {  	_ =	shalt  }
0x71: {  	_ =	shalt  }
0x72: {  	_ =	shalt  }
0x73: {  	_ =	shalt  }
0x74: {  	_ =	shalt  }
0x75: {  	_ =	shalt  }
0x76: {  	_ =	shalt  }
0x77: {  	_ =	shalt  }
0x78: {  	_ =	shalt  }
0x79: {  	_ =	shalt  }
0x7a: {  	_ =	shalt  }
0x7b: {  	_ =	shalt  }
0x7c: {  	_ =	shalt  }
0x7d: {  	_ =	shalt  }
0x7e: {  	_ =	shalt  }
0x7f: {  	_ =	shalt  }
0x80: {  	_ =	shalt  }
0x81: {  	_ =	shalt  }
0x82: {  	_ =	shalt  }
0x83: {  	_ =	shalt  }
0x84: {  	_ =	shalt  }
0x85: {  	_ =	shalt  }
0x86: {  	_ =	shalt  }
0x87: {  	_ =	shalt  }
.Lfunc_end0:
.L_simem_size_0:
called_computation_lowered:
.L_overlay_start_0:
0x88: {  	s2 =	sld [smem:$0x3FD9]  }
0x89: {  	s3 =	sld [smem:$0x3FFE];
	_ =	sdelay $0x1  }
0x8a: {  	s1 =	srdreg.scid  }
0x8b: {  	s0 =	sand.u32 $0x1, s1  }
0x8c: {  	s17 =	sshll.u32 s0, $0xA;
	s2 =	sadd.s32 s3, s2  }
0x8d: {  	s2 =	sadd.s32 s2, s17  }
0x8e: {  	[smem:$0x3FC6] =	sst s2  }
0x8f: {  	_ = 	snop  }
0x90: {  	s2 =	sld [smem:$0x3FD0];
	(tm) =	ssettm $0x1  }
0x91: {  	s18 =	sld [smem:$0x3FFB];
	_ =	sdelay $0x3  }
0x92: {  	_ =	strace s18  }
0x93: {  	s3 =	sld [smem:$0x3FFC];
	_ =	sdelay $0x3  }
0x94: {  	_ =	strace s3  }
0x95: {  	s3 =	sld [smem:$0x3FFD];
	_ =	sdelay $0x3  }
0x96: {  	_ =	strace s3  }
0x97: {  	_ =	strace $0x8FFFFFFF  }
0x98: {  	s19 =	sld [smem:$0x3FDB];
	_ =	sdelay $0x1  }
0x99: {  	s4 =	simm.s32 $_scs_section_size  }
0x9a: {  	s5 =	simm.s32 $_size__tile_overlayer_lowered;
	s6 =	simm.s32 $_tile_overlayer_lowered  }
0x9b: {  	s22 =	simm.s32 $0x1BFF;
	s21 =	sshll.u32 s6, $0x1;
	s3 =	sadd.s32 s4, s19  }
0x9c: {  	s7 =	simm.s32 $0x0;
	s20 =	sshll.u32 s5, $0x1;
	s5 =	sadd.s32 s21, s3  }
0x9d: {  	[timem:s7], [sflag:s22] =	dma.local [hbm:s5], s20  }
0x9e: {  	_ =	swait.ge [sflag:s22], s20  }
0x9f: {  	s4 =	ssub.s32 $0x0, s20;
	[sflag:s22] =	ssyncset.done $0x0  }
0xa0: {  	[sflag:s22] =	ssyncadd.s32 s4;
	_ =	sdelay $0x1  }
0xa1: {  	s23 =	simm.s32 $0x1B8B  }
0xa2: {  	_ =	swait.ge [sflag:s23], $0x1  }
0xa3: {  	[sflag:s23] =	ssyncset.done $0x0  }
0xa4: {  	s25 =	simm.s32 $0x1B8E;
	s24 =	sld [smem:$0x3FFE];
	[sflag:s23] =	ssyncadd.s32 $0xFFFFFFFF  }
0xa5: {  	s26 =	simm.s32 $execute0_lowered;
	[smem:$0x3FD2] =	sst s25  }
0xa6: {  	s5 =	sshll.u32 s26, $0x1;
	_ =	strace $0x80000046;
	[dreg:$0x1] =	wrdreg $0xFFFFFFFF  }
0xa7: {  	s28 =	simm.s32 $_size_execute0_lowered;
	s3 =	sadd.s32 s3, s5;
	[dreg:$0x0] =	wrdreg $0x0  }
0xa8: {  	s5 =	sshll.u32 s28, $0x1;
	[dreg:$0x2] =	wrdreg s3  }
0xa9: {  	[dreg:$0x3] =	wrdreg s5  }
0xaa: {  	[dreg:$0x4] =	wrdreg $0xC0  }
0xab: {  	_ =	task [dreg:s7], $0x5FFFF  }
0xac: {  	[dreg:$0x1] =	wrdreg $0xFFFFFFFF  }
0xad: {  	[dreg:$0x0] =	wrdreg $0x60  }
0xae: {  	[dreg:$0x2] =	wrdreg s24  }
0xaf: {  	[dreg:$0x3] =	wrdreg s2  }
0xb0: {  	[dreg:$0x4] =	wrdreg $0x9  }
0xb1: {  	_ =	task.clear_ibuf [dreg:s7], $0x5FFFF;
	_ =	strace $0x90000046  }
0xb2: {  	s29 =	simm.s32 $0x9;
	_ =	strace $0x80000048  }
0xb3: {  	_ =	swait.ge [sflag:s29], $0x1  }
0xb4: {  	[sflag:s29] =	ssyncadd.s32 $0xFFFFFFFF  }
0xb5: {  	_ =	strace $0x90000048  }
0xb6: {  	_ =	sfence  }
0xb7: {  	s30 =	sld [smem:$0x0];
	_ =	sdelay $0x2  }
0xb8: {  	s31 =	sshll.u32 s1, $0xD;
	s1 =	sshrl.u32 s1, $0x2  }
0xb9: {  	s3 =	sand.u32 $0x4000, s31;
	s1 =	sadd.s32 s1, s30  }
0xba: {  	s0 =	sor.u32 s3, s0;
	s1 =	sshll.u32 s1, $0x11  }
0xbb: {  	s0 =	sor.u32 s1, s0  }
0xbc: {  	s0 =	sadd.s32 $0x8F2B, s0  }
0xbd: {  	[sflag:s0] =	ssyncadd.remote.s32 $0x1  }
0xbe: {  	_ =	sfence.sel $0xFFFF  }
0xbf: {  	[dreg:$0x0] =	wrdreg $0xFFFFFFFF;
	(pc) =	sbr.abs _section_cstart, $3  }
0xc0: {  	[dreg:$0x1] =	wrdreg $0xFFFFFFFF  }
0xc1: {  	_ =	task.clear_ibuf [dreg:s7], $0x2FFFF;
	_ =	strace $0x9FFFFFFF  }
0xc2: {  	(tm) =	ssettm $0x7FFFFFFF  }
0xc3: {  	_ =	shalt  }
tec
execute0_lowered:
.L_overlay_start_1:
0x0: {  	(tag) =	ssettag $0x1  }
0x1: {  	s0 =	rddreg [dreg:$0x0];
	s1 =	srdreg.scid  }
0x2: {  	s3 =	stileid.u32;
	s2 =	rddreg [dreg:$0x1];
	s11 =	simm.s32 $0x80  }
0x3: {  	s15 =	simm.s32 $0x8400;
	s17 =	simm.s32 $0xA400;
	s19 =	simm.s32 $0xC400  }
0x4: {  	s20 =	simm.s32 $0x1;
	s21 =	simm.s32 $0xE400;
	s22 =	simm.s32 $0x2  }
0x5: {  	s23 =	simm.s32 $0x6;
	s24 =	simm.s32 $0x10600;
	s28 =	simm.s32 $0x12800  }
0x6: {  	s29 =	simm.s32 $0x4;
	s30 =	simm.s32 $0x8;
	s31 =	simm.s32 $0x14A00  }
0x7: {  	s1 =	sand.u32 $0x1, s1;
	s4 =	sshll.u32 s3, $0x1;
	s3 =	simm.s32 $0x0  }
0x8: {  	s8 =	sadd.s32 $0x10000, s2;
	s9 =	sadd.s32 $0x18000, s2;
	s5 =	sor.u32 s1, s4  }
0x9: {  	[smem:$0x7FF] =	sst s3;
	s1 =	ssub.s32 $0x2, s1;
	s4 =	sshll.u32 s5, $0x4  }
.Ltmp0:
0xa: {  	_ =	strace $0x80000047;
	s7 =	sshrl.u32 s1, $0x1;
	(pc) =	sbr.rel .LBB2_1-.Ltmp0, $4  }
0xb: {  	v0 =	vlaneseq.u32;
	s6 =	sadd.s32 s4, s0;
	s4 =	sadd.s32 $0xF42A00, s0;
	s25 =	ssub.s32 s1, s7  }
0xc: {  	v0 =	vmul.u32 $0x88, v0;
	s7 =	sadd.s32 $0x8000, s2;
	s1 =	simm.s32 $0x0;
	s26 =	sadd.s32 $0x600, s6  }
0xd: {  	s6 =	sshll.u32 s5, $0x7;
	s0 =	smax.u32 s25, $0x1;
	[dreg:$0x3] =	wrdreg s26  }
0xe: {  	v1 =	vadd.s32 $0x880, v0;
	v2 =	vadd.s32 $0x1100, v0;
	v3 =	vadd.s32 $0x1980, v0;
	s25 =	simm.s32 $0x3;
	[dreg:$0x4] =	wrdreg s0;
	s26 =	simm.s32 $0x7  }
.LBB2_32:
0xf: {  	s0 =	simm.s32 $0x5  }
0x10: {  	_ =	swait.ge [sflag:s0], $0x2000  }
0x11: {  	[sflag:s0] =	ssyncset.done $0x0  }
0x12: {  	[sflag:s0] =	ssyncadd.s32 $0xFFFFE000  }
0x13: {  	_ =	swait.ge [sflag:s23], $0x2000  }
0x14: {  	[sflag:s23] =	ssyncset.done $0x0  }
0x15: {  	[sflag:s23] =	ssyncadd.s32 $0xFFFFE000  }
0x16: {  	_ =	swait.ge [sflag:s26], $0x2000  }
0x17: {  	[sflag:s26] =	ssyncset.done $0x0  }
0x18: {  	[sflag:s26] =	ssyncadd.s32 $0xFFFFE000  }
0x19: {  	_ =	swait.ge [sflag:s30], $0x2000  }
0x1a: {  	s1 =	rddreg [dreg:$0x5]  }
0x1b: {  	s18 =	rddreg [dreg:$0x4];
	s1 =	sadd.s32 $0x1, s1  }
0x1c: {  	p0 =	sne.s32 s1, s18  }
.Ltmp1:
0x1d: {  	_ = 	snop;
	(pc) =	sbr.rel @!p0 .LBB2_33-.Ltmp1, $3  }
0x1e: {  	_ =	sdelay $0x1  }
0x1f: {  	[sflag:s30] =	ssyncset.done $0x0  }
0x20: {  	[sflag:s30] =	ssyncadd.s32 $0xFFFFE000  }
.LBB2_1:
0x21: {  	[dreg:$0x5] =	wrdreg s1  }
0x22: {  	s0 =	rddreg [dreg:$0x3];
	s12 =	simm.s32 $0x1000;
	s13 =	simm.s32 $0x9  }
0x23: {  	[tilespmem:s3], [sflag:$0x9] =	stream.strided.gather [hbm4b:s0+s11], $0x6400, s12, s11, $0x38;
	[tilespmem:$0x16C00] =	vst v63  }
0x24: {  	_ =	swait.ge [sflag:s13], $0x6400  }
0x25: {  	[sflag:s13] =	ssyncset.done $0x0  }
0x26: {  	s14 =	simm.s32 $0x6400;
	[sflag:s13] =	ssyncadd.s32 $0xFFFF9C00  }
0x27: {  	[tilespmem:s14], [sflag:$0x1] =	stream.indirect.gather [hbm4b:s4+s11], $0x40, s3, s11, $0xb8;
	[tilespmem:$0x16C00] =	vst v63  }
0x28: {  	_ = 	snop  }
0x29: {  	[tilespmem:s15], [sflag:$0x2] =	stream.indirect.gather [hbm4b:s4+s11], $0x40, s11, s11, $0xb8;
	[tilespmem:$0x16C00] =	vst v63  }
0x2a: {  	s16 =	simm.s32 $0x100  }
0x2b: {  	[tilespmem:s17], [sflag:$0x3] =	stream.indirect.gather [hbm4b:s4+s11], $0x40, s16, s11, $0xb8;
	[tilespmem:$0x16C00] =	vst v63  }
0x2c: {  	s18 =	simm.s32 $0x180;
	s12 =	simm.s32 $0x0  }
0x2d: {  	[tilespmem:s19], [sflag:$0x4] =	stream.indirect.gather [hbm4b:s4+s11], $0x40, s18, s11, $0xb8;
	[tilespmem:$0x16C00] =	vst v63  }
.LBB2_2:
0x2e: {  	_ =	swait.ge [sflag:s20], $0x2000  }
0x2f: {  	p0 =	seq.s32 s12, $0x0;
	[sflag:s20] =	ssyncset.done $0x0  }
0x30: {  	s0 =	simm.s32 @!p0 $0x5;
	[sflag:s20] =	ssyncadd.s32 $0xFFFFE000  }
0x31: {  	_ =	swait.ge @!p0 [sflag:s0], $0x2000  }
0x32: {  	[sflag:s0] =	ssyncset.done @!p0 $0x0  }
0x33: {  	s16 =	simm.s32 $0x0;
	s18 =	simm.s32 $0x6420;
	[sflag:s0] =	ssyncadd.s32 @!p0 $0xFFFFE000  }
0x34: {  	v4 =	vmov s16;
	v5 =	vld [tilespmem:s18+$0xFFFFFFE0]  }
0x35: {  	v4 =	vand.u32 $0x7F, v4  }
0x36: {  	v6 =	vadd.s32 v0, v4;
	_ =	sdelay $0x2  }
0x37: {  	v5 =	vmul.f32 $8.000000000e+00, v5;
	_ =	sdelay $0x1  }
0x38: {  	[tilespmem:v6+s21+$0x0] =	vst.idx.msk $0xffff, v5  }
0x39: {  	v5 =	vld [tilespmem:s18+$0xFFFFFFF0];
	_ =	sdelay $0x1  }
0x3a: {  	v6 =	vadd.s32 v1, v4;
	_ =	sdelay $0x2  }
0x3b: {  	v5 =	vmul.f32 $8.000000000e+00, v5;
	_ =	sdelay $0x1  }
0x3c: {  	[tilespmem:v6+s21+$0x0] =	vst.idx.msk $0xffff, v5  }
0x3d: {  	v5 =	vld [tilespmem:s18+$0x0];
	_ =	sdelay $0x1  }
0x3e: {  	v6 =	vadd.s32 v2, v4;
	_ =	sdelay $0x2  }
0x3f: {  	v5 =	vmul.f32 $8.000000000e+00, v5;
	_ =	sdelay $0x1  }
0x40: {  	[tilespmem:v6+s21+$0x0] =	vst.idx.msk $0xffff, v5  }
0x41: {  	v5 =	vld [tilespmem:s18+$0x10];
	_ =	sdelay $0x1  }
0x42: {  	v4 =	vadd.s32 v3, v4;
	_ =	sdelay $0x2  }
0x43: {  	s5 =	simm.s32 $0x1;
	s16 =	sshll.u32 s12, $0xB;
	v5 =	vmul.f32 $8.000000000e+00, v5  }
.LBB2_3:
0x44: {  	p1 =	sne.s32 s5, $0x7F  }
0x45: {  	s18 =	sadd.s32 $0x40, s18;
	s0 =	smov.u32 s5;
	s5 =	sadd.s32 $0x1, s5;
	[tilespmem:v4+s21+$0x0] =	vst.idx.msk $0xffff, v5  }
0x46: {  	v4 =	vmov s0;
	v5 =	vld [tilespmem:s18+$0xFFFFFFE0]  }
0x47: {  	v4 =	vand.u32 $0x7F, v4  }
0x48: {  	v6 =	vadd.s32 v0, v4;
	_ =	sdelay $0x2  }
0x49: {  	v5 =	vmul.f32 $8.000000000e+00, v5;
	_ =	sdelay $0x1  }
0x4a: {  	[tilespmem:v6+s21+$0x0] =	vst.idx.msk $0xffff, v5  }
0x4b: {  	v5 =	vld [tilespmem:s18+$0xFFFFFFF0];
	_ =	sdelay $0x1  }
0x4c: {  	v6 =	vadd.s32 v1, v4;
	_ =	sdelay $0x2  }
0x4d: {  	v5 =	vmul.f32 $8.000000000e+00, v5;
	_ =	sdelay $0x1  }
0x4e: {  	[tilespmem:v6+s21+$0x0] =	vst.idx.msk $0xffff, v5  }
0x4f: {  	v5 =	vld [tilespmem:s18+$0x0];
	_ =	sdelay $0x1  }
0x50: {  	v6 =	vadd.s32 v2, v4;
	_ =	sdelay $0x2  }
0x51: {  	v5 =	vmul.f32 $8.000000000e+00, v5;
	_ =	sdelay $0x1  }
0x52: {  	[tilespmem:v6+s21+$0x0] =	vst.idx.msk $0xffff, v5  }
0x53: {  	v5 =	vld [tilespmem:s18+$0x10]  }
.Ltmp2:
0x54: {  	(pc) =	sbr.rel @p1 .LBB2_3-.Ltmp2, $2  }
0x55: {  	v4 =	vadd.s32 v3, v4;
	_ =	sdelay $0x2  }
0x56: {  	v5 =	vmul.f32 $8.000000000e+00, v5  }
0x57: {  	_ =	sdelay $0x1  }
0x58: {  	s0 =	sshll.u32 s12, $0x11  }
0x59: {  	s18 =	sor.u32 s6, s0  }
0x5a: {  	s1 =	simm.s32 $0xE400;
	[tilespmem:v4+s21+$0x0] =	vst.idx.msk $0xffff, v5;
	s10 =	sadd.s32 s2, s18  }
0x5b: {  	[hbm4b:s10+s3] =	stream.linear.scatter [tilespmem:s1], [sflag:$0x5], $0x80, $0x38;
	[tilespmem:$0x16C00] =	vst v63  }
0x5c: {  	s5 =	simm.s32 $0xE488;
	s1 =	sadd.s32 $0x10, s10  }
0x5d: {  	[hbm4b:s1+s3] =	stream.linear.scatter [tilespmem:s5], [sflag:$0x5], $0x80, $0x38;
	[tilespmem:$0x16C00] =	vst v63  }
0x5e: {  	s13 =	simm.s32 $0xE510;
	s14 =	sadd.s32 $0x20, s10  }
0x5f: {  	[hbm4b:s14+s3] =	stream.linear.scatter [tilespmem:s13], [sflag:$0x5], $0x80, $0x38;
	[tilespmem:$0x16C00] =	vst v63  }
0x60: {  	s1 =	simm.s32 $0xE598;
	s5 =	sadd.s32 $0x30, s10  }
0x61: {  	[hbm4b:s5+s3] =	stream.linear.scatter [tilespmem:s1], [sflag:$0x5], $0x80, $0x38;
	[tilespmem:$0x16C00] =	vst v63  }
0x62: {  	s13 =	simm.s32 $0xE620;
	s14 =	sadd.s32 $0x40, s10  }
0x63: {  	[hbm4b:s14+s3] =	stream.linear.scatter [tilespmem:s13], [sflag:$0x5], $0x80, $0x38;
	[tilespmem:$0x16C00] =	vst v63  }
0x64: {  	s0 =	sadd.s32 $0x70, s10;
	s1 =	simm.s32 $0xE6A8;
	s5 =	sadd.s32 $0x50, s10  }
0x65: {  	[hbm4b:s5+s3] =	stream.linear.scatter [tilespmem:s1], [sflag:$0x5], $0x80, $0x38;
	[tilespmem:$0x16C00] =	vst v63  }
0x66: {  	s13 =	simm.s32 $0xE730;
	s14 =	sadd.s32 $0x60, s10;
	s10 =	sadd.s32 $0x1000, s10  }
0x67: {  	[hbm4b:s14+s3] =	stream.linear.scatter [tilespmem:s13], [sflag:$0x5], $0x80, $0x38;
	[tilespmem:$0x16C00] =	vst v63  }
0x68: {  	s5 =	simm.s32 $0x440;
	s1 =	simm.s32 $0xE7B8;
	s13 =	simm.s32 $0x2200  }
.LBB2_5:
0x69: {  	[hbm4b:s0+s3] =	stream.linear.scatter [tilespmem:s1], [sflag:$0x5], $0x80, $0x38;
	[tilespmem:$0x16C00] =	vst v63  }
0x6a: {  	s0 =	smov.u32 s5;
	s1 =	smov.u32 s13  }
0x6b: {  	s14 =	sadd.s32 $0x1100, s13;
	s5 =	sshra.s32 s1, $0x2;
	s1 =	sadd.s32 $0xE400, s0  }
0x6c: {  	[hbm4b:s10+s3] =	stream.linear.scatter [tilespmem:s1], [sflag:$0x5], $0x80, $0x38;
	[tilespmem:$0x16C00] =	vst v63  }
0x6d: {  	p1 =	sne.s32 s13, $0x7700;
	s13 =	sadd.s32 $0x10, s10;
	s1 =	sadd.s32 $0xE488, s0  }
0x6e: {  	[hbm4b:s13+s3] =	stream.linear.scatter [tilespmem:s1], [sflag:$0x5], $0x80, $0x38;
	[tilespmem:$0x16C00] =	vst v63  }
0x6f: {  	s1 =	sadd.s32 $0xE510, s0;
	s13 =	sadd.s32 $0x20, s10  }
0x70: {  	[hbm4b:s13+s3] =	stream.linear.scatter [tilespmem:s1], [sflag:$0x5], $0x80, $0x38;
	[tilespmem:$0x16C00] =	vst v63  }
0x71: {  	s1 =	sadd.s32 $0xE598, s0;
	s13 =	sadd.s32 $0x30, s10  }
0x72: {  	[hbm4b:s13+s3] =	stream.linear.scatter [tilespmem:s1], [sflag:$0x5], $0x80, $0x38;
	[tilespmem:$0x16C00] =	vst v63  }
0x73: {  	s1 =	sadd.s32 $0xE620, s0;
	s13 =	sadd.s32 $0x40, s10  }
0x74: {  	[hbm4b:s13+s3] =	stream.linear.scatter [tilespmem:s1], [sflag:$0x5], $0x80, $0x38;
	[tilespmem:$0x16C00] =	vst v63  }
0x75: {  	s1 =	sadd.s32 $0xE6A8, s0;
	s13 =	sadd.s32 $0x50, s10  }
0x76: {  	[hbm4b:s13+s3] =	stream.linear.scatter [tilespmem:s1], [sflag:$0x5], $0x80, $0x38;
	[tilespmem:$0x16C00] =	vst v63  }
.Ltmp3:
0x77: {  	_ = 	snop;
	(pc) =	sbr.rel @p1 .LBB2_5-.Ltmp3, $4  }
0x78: {  	s1 =	sadd.s32 $0xE730, s0;
	s13 =	sadd.s32 $0x60, s10  }
0x79: {  	[hbm4b:s13+s3] =	stream.linear.scatter [tilespmem:s1], [sflag:$0x5], $0x80, $0x38;
	[tilespmem:$0x16C00] =	vst v63  }
0x7a: {  	s1 =	sadd.s32 $0xE7B8, s0  }
0x7b: {  	s0 =	sadd.s32 $0x70, s10;
	s10 =	sadd.s32 $0x1000, s10;
	s13 =	smov.u32 s14  }
0x7c: {  	[hbm4b:s0+s3] =	stream.linear.scatter [tilespmem:s1], [sflag:$0x5], $0x80, $0x38;
	[tilespmem:$0x16C00] =	vst v63  }
0x7d: {  	s1 =	sadd.s32 $0xE400, s5  }
0x7e: {  	[hbm4b:s10+s3] =	stream.linear.scatter [tilespmem:s1], [sflag:$0x5], $0x80, $0x38;
	[tilespmem:$0x16C00] =	vst v63  }
0x7f: {  	s13 =	sadd.s32 $0xE488, s5;
	s14 =	sadd.s32 $0x10, s10  }
0x80: {  	[hbm4b:s14+s3] =	stream.linear.scatter [tilespmem:s13], [sflag:$0x5], $0x80, $0x38;
	[tilespmem:$0x16C00] =	vst v63  }
0x81: {  	s13 =	sadd.s32 $0xE510, s5;
	s14 =	sadd.s32 $0x20, s10  }
0x82: {  	[hbm4b:s14+s3] =	stream.linear.scatter [tilespmem:s13], [sflag:$0x5], $0x80, $0x38;
	[tilespmem:$0x16C00] =	vst v63  }
0x83: {  	s13 =	sadd.s32 $0xE598, s5;
	s14 =	sadd.s32 $0x30, s10  }
0x84: {  	[hbm4b:s14+s3] =	stream.linear.scatter [tilespmem:s13], [sflag:$0x5], $0x80, $0x38;
	[tilespmem:$0x16C00] =	vst v63  }
0x85: {  	s13 =	sadd.s32 $0xE620, s5;
	s14 =	sadd.s32 $0x40, s10  }
0x86: {  	[hbm4b:s14+s3] =	stream.linear.scatter [tilespmem:s13], [sflag:$0x5], $0x80, $0x38;
	[tilespmem:$0x16C00] =	vst v63  }
0x87: {  	p1 =	sne.s32 s12, $0x31;
	s13 =	sadd.s32 $0xE6A8, s5;
	s14 =	sadd.s32 $0x50, s10  }
0x88: {  	[hbm4b:s14+s3] =	stream.linear.scatter [tilespmem:s13], [sflag:$0x5], $0x80, $0x38;
	[tilespmem:$0x16C00] =	vst v63  }
.Ltmp4:
0x89: {  	_ = 	snop;
	(pc) =	sbr.rel @p1 .LBB2_8-.Ltmp4, $4  }
0x8a: {  	s13 =	sadd.s32 $0xE730, s5;
	s14 =	sadd.s32 $0x60, s10  }
0x8b: {  	[hbm4b:s14+s3] =	stream.linear.scatter [tilespmem:s13], [sflag:$0x5], $0x80, $0x38;
	[tilespmem:$0x16C00] =	vst v63  }
0x8c: {  	s13 =	sadd.s32 $0xE7B8, s5;
	s14 =	sadd.s32 $0x70, s10  }
0x8d: {  	[hbm4b:s14+s3] =	stream.linear.scatter [tilespmem:s13], [sflag:$0x5], $0x80, $0x38;
	[tilespmem:$0x16C00] =	vst v63  }
.Ltmp5:
0x8e: {  	(pc) =	sbr.rel .LBB2_9-.Ltmp5, $4  }
0x8f: {  	_ = 	snop  }
0x90: {  	_ =	swait.ge [sflag:s22], $0x2000  }
0x91: {  	[sflag:s22] =	ssyncset.done $0x0  }
0x92: {  	[sflag:s22] =	ssyncadd.s32 $0xFFFFE000  }
.LBB2_8:
0x93: {  	s0 =	sshrl.u32 s16, $0x2  }
.Ltmp6:
0x94: {  	s1 =	simm.s32 $0x6400;
	s0 =	sadd.s32 $0x200, s0;
	(pc) =	sbr.rel @p0 .LBB2_10-.Ltmp6, $4  }
0x95: {  	[tilespmem:s1], [sflag:$0x1] =	stream.indirect.gather [hbm4b:s4+s11], $0x40, s0, s11, $0xb8;
	[tilespmem:$0x16C00] =	vst v63  }
0x96: {  	_ =	swait.ge [sflag:s22], $0x2000  }
0x97: {  	[sflag:s22] =	ssyncset.done $0x0  }
0x98: {  	[sflag:s22] =	ssyncadd.s32 $0xFFFFE000  }
.LBB2_9:
0x99: {  	_ =	swait.ge [sflag:s23], $0x2000  }
0x9a: {  	[sflag:s23] =	ssyncset.done $0x0  }
0x9b: {  	[sflag:s23] =	ssyncadd.s32 $0xFFFFE000  }
.LBB2_10:
0x9c: {  	s0 =	simm.s32 $0x0;
	s5 =	simm.s32 $0x8430  }
0x9d: {  	v4 =	vmov s0;
	v5 =	vld [tilespmem:s5+$0xFFFFFFD0]  }
0x9e: {  	v4 =	vand.u32 $0x7F, v4  }
0x9f: {  	v6 =	vadd.s32 v0, v4;
	_ =	sdelay $0x2  }
0xa0: {  	v5 =	vmul.f32 $8.000000000e+00, v5;
	_ =	sdelay $0x1  }
0xa1: {  	[tilespmem:v6+s24+$0x0] =	vst.idx.msk $0xffff, v5  }
0xa2: {  	v5 =	vld [tilespmem:s5+$0xFFFFFFE0];
	_ =	sdelay $0x1  }
0xa3: {  	v6 =	vadd.s32 v1, v4;
	_ =	sdelay $0x2  }
0xa4: {  	v5 =	vmul.f32 $8.000000000e+00, v5;
	_ =	sdelay $0x1  }
0xa5: {  	[tilespmem:v6+s24+$0x0] =	vst.idx.msk $0xffff, v5  }
0xa6: {  	v5 =	vld [tilespmem:s5+$0xFFFFFFF0];
	_ =	sdelay $0x1  }
0xa7: {  	v6 =	vadd.s32 v2, v4;
	_ =	sdelay $0x2  }
0xa8: {  	v5 =	vmul.f32 $8.000000000e+00, v5;
	_ =	sdelay $0x1  }
0xa9: {  	[tilespmem:v6+s24+$0x0] =	vst.idx.msk $0xffff, v5  }
0xaa: {  	v5 =	vld [tilespmem:s5+$0x0];
	_ =	sdelay $0x1  }
0xab: {  	v4 =	vadd.s32 v3, v4;
	_ =	sdelay $0x2  }
0xac: {  	s10 =	simm.s32 $0x1;
	v5 =	vmul.f32 $8.000000000e+00, v5  }
.LBB2_11:
0xad: {  	p2 =	sne.s32 s10, $0x7F  }
0xae: {  	s5 =	sadd.s32 $0x40, s5;
	s0 =	smov.u32 s10;
	s10 =	sadd.s32 $0x1, s10;
	[tilespmem:v4+s24+$0x0] =	vst.idx.msk $0xffff, v5  }
0xaf: {  	v4 =	vmov s0;
	v5 =	vld [tilespmem:s5+$0xFFFFFFD0]  }
0xb0: {  	v4 =	vand.u32 $0x7F, v4  }
0xb1: {  	v6 =	vadd.s32 v0, v4;
	_ =	sdelay $0x2  }
0xb2: {  	v5 =	vmul.f32 $8.000000000e+00, v5;
	_ =	sdelay $0x1  }
0xb3: {  	[tilespmem:v6+s24+$0x0] =	vst.idx.msk $0xffff, v5  }
0xb4: {  	v5 =	vld [tilespmem:s5+$0xFFFFFFE0];
	_ =	sdelay $0x1  }
0xb5: {  	v6 =	vadd.s32 v1, v4;
	_ =	sdelay $0x2  }
0xb6: {  	v5 =	vmul.f32 $8.000000000e+00, v5;
	_ =	sdelay $0x1  }
0xb7: {  	[tilespmem:v6+s24+$0x0] =	vst.idx.msk $0xffff, v5  }
0xb8: {  	v5 =	vld [tilespmem:s5+$0xFFFFFFF0];
	_ =	sdelay $0x1  }
0xb9: {  	v6 =	vadd.s32 v2, v4;
	_ =	sdelay $0x2  }
0xba: {  	v5 =	vmul.f32 $8.000000000e+00, v5;
	_ =	sdelay $0x1  }
0xbb: {  	[tilespmem:v6+s24+$0x0] =	vst.idx.msk $0xffff, v5  }
0xbc: {  	v5 =	vld [tilespmem:s5+$0x0]  }
.Ltmp7:
0xbd: {  	(pc) =	sbr.rel @p2 .LBB2_11-.Ltmp7, $2  }
0xbe: {  	v4 =	vadd.s32 v3, v4;
	_ =	sdelay $0x2  }
0xbf: {  	v5 =	vmul.f32 $8.000000000e+00, v5  }
0xc0: {  	_ =	sdelay $0x3  }
0xc1: {  	s10 =	sadd.s32 s18, s7;
	s0 =	simm.s32 $0x10600;
	[tilespmem:v4+s24+$0x0] =	vst.idx.msk $0xffff, v5  }
0xc2: {  	[hbm4b:s10+s3] =	stream.linear.scatter [tilespmem:s0], [sflag:$0x6], $0x80, $0x38;
	[tilespmem:$0x16C00] =	vst v63  }
0xc3: {  	s5 =	simm.s32 $0x10688;
	s1 =	sadd.s32 $0x10, s10  }
0xc4: {  	[hbm4b:s1+s3] =	stream.linear.scatter [tilespmem:s5], [sflag:$0x6], $0x80, $0x38;
	[tilespmem:$0x16C00] =	vst v63  }
0xc5: {  	s13 =	simm.s32 $0x10710;
	s14 =	sadd.s32 $0x20, s10  }
0xc6: {  	[hbm4b:s14+s3] =	stream.linear.scatter [tilespmem:s13], [sflag:$0x6], $0x80, $0x38;
	[tilespmem:$0x16C00] =	vst v63  }
0xc7: {  	s1 =	simm.s32 $0x10798;
	s5 =	sadd.s32 $0x30, s10  }
0xc8: {  	[hbm4b:s5+s3] =	stream.linear.scatter [tilespmem:s1], [sflag:$0x6], $0x80, $0x38;
	[tilespmem:$0x16C00] =	vst v63  }
0xc9: {  	s13 =	simm.s32 $0x10820;
	s14 =	sadd.s32 $0x40, s10  }
0xca: {  	[hbm4b:s14+s3] =	stream.linear.scatter [tilespmem:s13], [sflag:$0x6], $0x80, $0x38;
	[tilespmem:$0x16C00] =	vst v63  }
0xcb: {  	s0 =	sadd.s32 $0x70, s10;
	s1 =	simm.s32 $0x108A8;
	s5 =	sadd.s32 $0x50, s10  }
0xcc: {  	[hbm4b:s5+s3] =	stream.linear.scatter [tilespmem:s1], [sflag:$0x6], $0x80, $0x38;
	[tilespmem:$0x16C00] =	vst v63  }
0xcd: {  	s13 =	simm.s32 $0x10930;
	s14 =	sadd.s32 $0x60, s10;
	s10 =	sadd.s32 $0x1000, s10  }
0xce: {  	[hbm4b:s14+s3] =	stream.linear.scatter [tilespmem:s13], [sflag:$0x6], $0x80, $0x38;
	[tilespmem:$0x16C00] =	vst v63  }
0xcf: {  	s5 =	simm.s32 $0x440;
	s1 =	simm.s32 $0x109B8;
	s13 =	simm.s32 $0x2200  }
.LBB2_13:
0xd0: {  	[hbm4b:s0+s3] =	stream.linear.scatter [tilespmem:s1], [sflag:$0x6], $0x80, $0x38;
	[tilespmem:$0x16C00] =	vst v63  }
0xd1: {  	s0 =	smov.u32 s5;
	s1 =	smov.u32 s13  }
0xd2: {  	s14 =	sadd.s32 $0x1100, s13;
	s5 =	sshra.s32 s1, $0x2;
	s1 =	sadd.s32 $0x10600, s0  }
0xd3: {  	[hbm4b:s10+s3] =	stream.linear.scatter [tilespmem:s1], [sflag:$0x6], $0x80, $0x38;
	[tilespmem:$0x16C00] =	vst v63  }
0xd4: {  	p2 =	sne.s32 s13, $0x7700;
	s13 =	sadd.s32 $0x10, s10;
	s1 =	sadd.s32 $0x10688, s0  }
0xd5: {  	[hbm4b:s13+s3] =	stream.linear.scatter [tilespmem:s1], [sflag:$0x6], $0x80, $0x38;
	[tilespmem:$0x16C00] =	vst v63  }
0xd6: {  	s1 =	sadd.s32 $0x10710, s0;
	s13 =	sadd.s32 $0x20, s10  }
0xd7: {  	[hbm4b:s13+s3] =	stream.linear.scatter [tilespmem:s1], [sflag:$0x6], $0x80, $0x38;
	[tilespmem:$0x16C00] =	vst v63  }
0xd8: {  	s1 =	sadd.s32 $0x10798, s0;
	s13 =	sadd.s32 $0x30, s10  }
0xd9: {  	[hbm4b:s13+s3] =	stream.linear.scatter [tilespmem:s1], [sflag:$0x6], $0x80, $0x38;
	[tilespmem:$0x16C00] =	vst v63  }
0xda: {  	s1 =	sadd.s32 $0x10820, s0;
	s13 =	sadd.s32 $0x40, s10  }
0xdb: {  	[hbm4b:s13+s3] =	stream.linear.scatter [tilespmem:s1], [sflag:$0x6], $0x80, $0x38;
	[tilespmem:$0x16C00] =	vst v63  }
0xdc: {  	s1 =	sadd.s32 $0x108A8, s0;
	s13 =	sadd.s32 $0x50, s10  }
0xdd: {  	[hbm4b:s13+s3] =	stream.linear.scatter [tilespmem:s1], [sflag:$0x6], $0x80, $0x38;
	[tilespmem:$0x16C00] =	vst v63  }
.Ltmp8:
0xde: {  	_ = 	snop;
	(pc) =	sbr.rel @p2 .LBB2_13-.Ltmp8, $4  }
0xdf: {  	s1 =	sadd.s32 $0x10930, s0;
	s13 =	sadd.s32 $0x60, s10  }
0xe0: {  	[hbm4b:s13+s3] =	stream.linear.scatter [tilespmem:s1], [sflag:$0x6], $0x80, $0x38;
	[tilespmem:$0x16C00] =	vst v63  }
0xe1: {  	s1 =	sadd.s32 $0x109B8, s0  }
0xe2: {  	s0 =	sadd.s32 $0x70, s10;
	s10 =	sadd.s32 $0x1000, s10;
	s13 =	smov.u32 s14  }
0xe3: {  	[hbm4b:s0+s3] =	stream.linear.scatter [tilespmem:s1], [sflag:$0x6], $0x80, $0x38;
	[tilespmem:$0x16C00] =	vst v63  }
0xe4: {  	s1 =	sadd.s32 $0x10600, s5  }
0xe5: {  	[hbm4b:s10+s3] =	stream.linear.scatter [tilespmem:s1], [sflag:$0x6], $0x80, $0x38;
	[tilespmem:$0x16C00] =	vst v63  }
0xe6: {  	s13 =	sadd.s32 $0x10688, s5;
	s14 =	sadd.s32 $0x10, s10  }
0xe7: {  	[hbm4b:s14+s3] =	stream.linear.scatter [tilespmem:s13], [sflag:$0x6], $0x80, $0x38;
	[tilespmem:$0x16C00] =	vst v63  }
0xe8: {  	s13 =	sadd.s32 $0x10710, s5;
	s14 =	sadd.s32 $0x20, s10  }
0xe9: {  	[hbm4b:s14+s3] =	stream.linear.scatter [tilespmem:s13], [sflag:$0x6], $0x80, $0x38;
	[tilespmem:$0x16C00] =	vst v63  }
0xea: {  	s13 =	sadd.s32 $0x10798, s5;
	s14 =	sadd.s32 $0x30, s10  }
0xeb: {  	[hbm4b:s14+s3] =	stream.linear.scatter [tilespmem:s13], [sflag:$0x6], $0x80, $0x38;
	[tilespmem:$0x16C00] =	vst v63  }
0xec: {  	s13 =	sadd.s32 $0x10820, s5;
	s14 =	sadd.s32 $0x40, s10  }
0xed: {  	[hbm4b:s14+s3] =	stream.linear.scatter [tilespmem:s13], [sflag:$0x6], $0x80, $0x38;
	[tilespmem:$0x16C00] =	vst v63  }
0xee: {  	s13 =	sadd.s32 $0x108A8, s5;
	s14 =	sadd.s32 $0x50, s10  }
0xef: {  	[hbm4b:s14+s3] =	stream.linear.scatter [tilespmem:s13], [sflag:$0x6], $0x80, $0x38;
	[tilespmem:$0x16C00] =	vst v63  }
.Ltmp9:
0xf0: {  	_ = 	snop;
	(pc) =	sbr.rel @p1 .LBB2_16-.Ltmp9, $4  }
0xf1: {  	s13 =	sadd.s32 $0x10930, s5;
	s14 =	sadd.s32 $0x60, s10  }
0xf2: {  	[hbm4b:s14+s3] =	stream.linear.scatter [tilespmem:s13], [sflag:$0x6], $0x80, $0x38;
	[tilespmem:$0x16C00] =	vst v63  }
0xf3: {  	s13 =	sadd.s32 $0x109B8, s5;
	s14 =	sadd.s32 $0x70, s10  }
0xf4: {  	[hbm4b:s14+s3] =	stream.linear.scatter [tilespmem:s13], [sflag:$0x6], $0x80, $0x38;
	[tilespmem:$0x16C00] =	vst v63  }
.Ltmp10:
0xf5: {  	(pc) =	sbr.rel .LBB2_17-.Ltmp10, $4  }
0xf6: {  	_ = 	snop  }
0xf7: {  	_ =	swait.ge [sflag:s25], $0x2000  }
0xf8: {  	[sflag:s25] =	ssyncset.done $0x0  }
0xf9: {  	[sflag:s25] =	ssyncadd.s32 $0xFFFFE000  }
.LBB2_16:
0xfa: {  	s0 =	sshrl.u32 s16, $0x2  }
.Ltmp11:
0xfb: {  	s0 =	sadd.s32 $0x280, s0;
	(pc) =	sbr.rel @p0 .LBB2_18-.Ltmp11, $4  }
0xfc: {  	[tilespmem:s15], [sflag:$0x2] =	stream.indirect.gather [hbm4b:s4+s11], $0x40, s0, s11, $0xb8;
	[tilespmem:$0x16C00] =	vst v63  }
0xfd: {  	_ =	swait.ge [sflag:s25], $0x2000  }
0xfe: {  	[sflag:s25] =	ssyncset.done $0x0  }
0xff: {  	[sflag:s25] =	ssyncadd.s32 $0xFFFFE000  }
.LBB2_17:
0x100: {  	_ =	swait.ge [sflag:s26], $0x2000  }
0x101: {  	[sflag:s26] =	ssyncset.done $0x0  }
0x102: {  	[sflag:s26] =	ssyncadd.s32 $0xFFFFE000  }
.LBB2_18:
0x103: {  	s0 =	simm.s32 $0x0;
	s5 =	simm.s32 $0xA400  }
0x104: {  	v4 =	vmov s0;
	v5 =	vld [tilespmem:s5+$0x0]  }
0x105: {  	v4 =	vand.u32 $0x7F, v4  }
0x106: {  	v6 =	vadd.s32 v0, v4;
	_ =	sdelay $0x2  }
0x107: {  	v5 =	vmul.f32 $8.000000000e+00, v5;
	_ =	sdelay $0x1  }
0x108: {  	[tilespmem:v6+s28+$0x0] =	vst.idx.msk $0xffff, v5  }
0x109: {  	v5 =	vld [tilespmem:s5+$0x10];
	_ =	sdelay $0x1  }
0x10a: {  	v6 =	vadd.s32 v1, v4;
	_ =	sdelay $0x2  }
0x10b: {  	v5 =	vmul.f32 $8.000000000e+00, v5;
	_ =	sdelay $0x1  }
0x10c: {  	[tilespmem:v6+s28+$0x0] =	vst.idx.msk $0xffff, v5  }
0x10d: {  	v5 =	vld [tilespmem:s5+$0x20];
	_ =	sdelay $0x1  }
0x10e: {  	v6 =	vadd.s32 v2, v4;
	_ =	sdelay $0x2  }
0x10f: {  	v5 =	vmul.f32 $8.000000000e+00, v5;
	_ =	sdelay $0x1  }
0x110: {  	[tilespmem:v6+s28+$0x0] =	vst.idx.msk $0xffff, v5  }
0x111: {  	v5 =	vld [tilespmem:s5+$0x30];
	_ =	sdelay $0x1  }
0x112: {  	v4 =	vadd.s32 v3, v4;
	_ =	sdelay $0x2  }
0x113: {  	s10 =	simm.s32 $0x1;
	v5 =	vmul.f32 $8.000000000e+00, v5  }
.LBB2_19:
0x114: {  	p2 =	sne.s32 s10, $0x7F  }
0x115: {  	s5 =	sadd.s32 $0x40, s5;
	s0 =	smov.u32 s10;
	s10 =	sadd.s32 $0x1, s10;
	[tilespmem:v4+s28+$0x0] =	vst.idx.msk $0xffff, v5  }
0x116: {  	v4 =	vmov s0;
	v5 =	vld [tilespmem:s5+$0x0]  }
0x117: {  	v4 =	vand.u32 $0x7F, v4  }
0x118: {  	v6 =	vadd.s32 v0, v4;
	_ =	sdelay $0x2  }
0x119: {  	v5 =	vmul.f32 $8.000000000e+00, v5;
	_ =	sdelay $0x1  }
0x11a: {  	[tilespmem:v6+s28+$0x0] =	vst.idx.msk $0xffff, v5  }
0x11b: {  	v5 =	vld [tilespmem:s5+$0x10];
	_ =	sdelay $0x1  }
0x11c: {  	v6 =	vadd.s32 v1, v4;
	_ =	sdelay $0x2  }
0x11d: {  	v5 =	vmul.f32 $8.000000000e+00, v5;
	_ =	sdelay $0x1  }
0x11e: {  	[tilespmem:v6+s28+$0x0] =	vst.idx.msk $0xffff, v5  }
0x11f: {  	v5 =	vld [tilespmem:s5+$0x20];
	_ =	sdelay $0x1  }
0x120: {  	v6 =	vadd.s32 v2, v4;
	_ =	sdelay $0x2  }
0x121: {  	v5 =	vmul.f32 $8.000000000e+00, v5;
	_ =	sdelay $0x1  }
0x122: {  	[tilespmem:v6+s28+$0x0] =	vst.idx.msk $0xffff, v5  }
0x123: {  	v5 =	vld [tilespmem:s5+$0x30]  }
.Ltmp12:
0x124: {  	(pc) =	sbr.rel @p2 .LBB2_19-.Ltmp12, $2  }
0x125: {  	v4 =	vadd.s32 v3, v4;
	_ =	sdelay $0x2  }
0x126: {  	v5 =	vmul.f32 $8.000000000e+00, v5  }
0x127: {  	_ =	sdelay $0x3  }
0x128: {  	s10 =	sadd.s32 s18, s8;
	s0 =	simm.s32 $0x12800;
	[tilespmem:v4+s28+$0x0] =	vst.idx.msk $0xffff, v5  }
0x129: {  	[hbm4b:s10+s3] =	stream.linear.scatter [tilespmem:s0], [sflag:$0x7], $0x80, $0x38;
	[tilespmem:$0x16C00] =	vst v63  }
0x12a: {  	s5 =	simm.s32 $0x12888;
	s1 =	sadd.s32 $0x10, s10  }
0x12b: {  	[hbm4b:s1+s3] =	stream.linear.scatter [tilespmem:s5], [sflag:$0x7], $0x80, $0x38;
	[tilespmem:$0x16C00] =	vst v63  }
0x12c: {  	s13 =	simm.s32 $0x12910;
	s14 =	sadd.s32 $0x20, s10  }
0x12d: {  	[hbm4b:s14+s3] =	stream.linear.scatter [tilespmem:s13], [sflag:$0x7], $0x80, $0x38;
	[tilespmem:$0x16C00] =	vst v63  }
0x12e: {  	s1 =	simm.s32 $0x12998;
	s5 =	sadd.s32 $0x30, s10  }
0x12f: {  	[hbm4b:s5+s3] =	stream.linear.scatter [tilespmem:s1], [sflag:$0x7], $0x80, $0x38;
	[tilespmem:$0x16C00] =	vst v63  }
0x130: {  	s13 =	simm.s32 $0x12A20;
	s14 =	sadd.s32 $0x40, s10  }
0x131: {  	[hbm4b:s14+s3] =	stream.linear.scatter [tilespmem:s13], [sflag:$0x7], $0x80, $0x38;
	[tilespmem:$0x16C00] =	vst v63  }
0x132: {  	s0 =	sadd.s32 $0x70, s10;
	s1 =	simm.s32 $0x12AA8;
	s5 =	sadd.s32 $0x50, s10  }
0x133: {  	[hbm4b:s5+s3] =	stream.linear.scatter [tilespmem:s1], [sflag:$0x7], $0x80, $0x38;
	[tilespmem:$0x16C00] =	vst v63  }
0x134: {  	s13 =	simm.s32 $0x12B30;
	s14 =	sadd.s32 $0x60, s10;
	s10 =	sadd.s32 $0x1000, s10  }
0x135: {  	[hbm4b:s14+s3] =	stream.linear.scatter [tilespmem:s13], [sflag:$0x7], $0x80, $0x38;
	[tilespmem:$0x16C00] =	vst v63  }
0x136: {  	s5 =	simm.s32 $0x440;
	s1 =	simm.s32 $0x12BB8;
	s13 =	simm.s32 $0x2200  }
.LBB2_21:
0x137: {  	[hbm4b:s0+s3] =	stream.linear.scatter [tilespmem:s1], [sflag:$0x7], $0x80, $0x38;
	[tilespmem:$0x16C00] =	vst v63  }
0x138: {  	s0 =	smov.u32 s5;
	s1 =	smov.u32 s13  }
0x139: {  	s14 =	sadd.s32 $0x1100, s13;
	s5 =	sshra.s32 s1, $0x2;
	s1 =	sadd.s32 $0x12800, s0  }
0x13a: {  	[hbm4b:s10+s3] =	stream.linear.scatter [tilespmem:s1], [sflag:$0x7], $0x80, $0x38;
	[tilespmem:$0x16C00] =	vst v63  }
0x13b: {  	p2 =	sne.s32 s13, $0x7700;
	s13 =	sadd.s32 $0x10, s10;
	s1 =	sadd.s32 $0x12888, s0  }
0x13c: {  	[hbm4b:s13+s3] =	stream.linear.scatter [tilespmem:s1], [sflag:$0x7], $0x80, $0x38;
	[tilespmem:$0x16C00] =	vst v63  }
0x13d: {  	s1 =	sadd.s32 $0x12910, s0;
	s13 =	sadd.s32 $0x20, s10  }
0x13e: {  	[hbm4b:s13+s3] =	stream.linear.scatter [tilespmem:s1], [sflag:$0x7], $0x80, $0x38;
	[tilespmem:$0x16C00] =	vst v63  }
0x13f: {  	s1 =	sadd.s32 $0x12998, s0;
	s13 =	sadd.s32 $0x30, s10  }
0x140: {  	[hbm4b:s13+s3] =	stream.linear.scatter [tilespmem:s1], [sflag:$0x7], $0x80, $0x38;
	[tilespmem:$0x16C00] =	vst v63  }
0x141: {  	s1 =	sadd.s32 $0x12A20, s0;
	s13 =	sadd.s32 $0x40, s10  }
0x142: {  	[hbm4b:s13+s3] =	stream.linear.scatter [tilespmem:s1], [sflag:$0x7], $0x80, $0x38;
	[tilespmem:$0x16C00] =	vst v63  }
0x143: {  	s1 =	sadd.s32 $0x12AA8, s0;
	s13 =	sadd.s32 $0x50, s10  }
0x144: {  	[hbm4b:s13+s3] =	stream.linear.scatter [tilespmem:s1], [sflag:$0x7], $0x80, $0x38;
	[tilespmem:$0x16C00] =	vst v63  }
.Ltmp13:
0x145: {  	_ = 	snop;
	(pc) =	sbr.rel @p2 .LBB2_21-.Ltmp13, $4  }
0x146: {  	s1 =	sadd.s32 $0x12B30, s0;
	s13 =	sadd.s32 $0x60, s10  }
0x147: {  	[hbm4b:s13+s3] =	stream.linear.scatter [tilespmem:s1], [sflag:$0x7], $0x80, $0x38;
	[tilespmem:$0x16C00] =	vst v63  }
0x148: {  	s1 =	sadd.s32 $0x12BB8, s0  }
0x149: {  	s0 =	sadd.s32 $0x70, s10;
	s10 =	sadd.s32 $0x1000, s10;
	s13 =	smov.u32 s14  }
0x14a: {  	[hbm4b:s0+s3] =	stream.linear.scatter [tilespmem:s1], [sflag:$0x7], $0x80, $0x38;
	[tilespmem:$0x16C00] =	vst v63  }
0x14b: {  	s1 =	sadd.s32 $0x12800, s5  }
0x14c: {  	[hbm4b:s10+s3] =	stream.linear.scatter [tilespmem:s1], [sflag:$0x7], $0x80, $0x38;
	[tilespmem:$0x16C00] =	vst v63  }
0x14d: {  	s13 =	sadd.s32 $0x12888, s5;
	s14 =	sadd.s32 $0x10, s10  }
0x14e: {  	[hbm4b:s14+s3] =	stream.linear.scatter [tilespmem:s13], [sflag:$0x7], $0x80, $0x38;
	[tilespmem:$0x16C00] =	vst v63  }
0x14f: {  	s13 =	sadd.s32 $0x12910, s5;
	s14 =	sadd.s32 $0x20, s10  }
0x150: {  	[hbm4b:s14+s3] =	stream.linear.scatter [tilespmem:s13], [sflag:$0x7], $0x80, $0x38;
	[tilespmem:$0x16C00] =	vst v63  }
0x151: {  	s13 =	sadd.s32 $0x12998, s5;
	s14 =	sadd.s32 $0x30, s10  }
0x152: {  	[hbm4b:s14+s3] =	stream.linear.scatter [tilespmem:s13], [sflag:$0x7], $0x80, $0x38;
	[tilespmem:$0x16C00] =	vst v63  }
0x153: {  	s13 =	sadd.s32 $0x12A20, s5;
	s14 =	sadd.s32 $0x40, s10  }
0x154: {  	[hbm4b:s14+s3] =	stream.linear.scatter [tilespmem:s13], [sflag:$0x7], $0x80, $0x38;
	[tilespmem:$0x16C00] =	vst v63  }
0x155: {  	s13 =	sadd.s32 $0x12AA8, s5;
	s14 =	sadd.s32 $0x50, s10  }
0x156: {  	[hbm4b:s14+s3] =	stream.linear.scatter [tilespmem:s13], [sflag:$0x7], $0x80, $0x38;
	[tilespmem:$0x16C00] =	vst v63  }
.Ltmp14:
0x157: {  	_ = 	snop;
	(pc) =	sbr.rel @p1 .LBB2_24-.Ltmp14, $4  }
0x158: {  	s13 =	sadd.s32 $0x12B30, s5;
	s14 =	sadd.s32 $0x60, s10  }
0x159: {  	[hbm4b:s14+s3] =	stream.linear.scatter [tilespmem:s13], [sflag:$0x7], $0x80, $0x38;
	[tilespmem:$0x16C00] =	vst v63  }
0x15a: {  	s13 =	sadd.s32 $0x12BB8, s5;
	s14 =	sadd.s32 $0x70, s10  }
0x15b: {  	[hbm4b:s14+s3] =	stream.linear.scatter [tilespmem:s13], [sflag:$0x7], $0x80, $0x38;
	[tilespmem:$0x16C00] =	vst v63  }
.Ltmp15:
0x15c: {  	(pc) =	sbr.rel .LBB2_25-.Ltmp15, $4  }
0x15d: {  	_ = 	snop  }
0x15e: {  	_ =	swait.ge [sflag:s29], $0x2000  }
0x15f: {  	[sflag:s29] =	ssyncset.done $0x0  }
0x160: {  	[sflag:s29] =	ssyncadd.s32 $0xFFFFE000  }
.LBB2_24:
0x161: {  	s0 =	sshrl.u32 s16, $0x2  }
.Ltmp16:
0x162: {  	s0 =	sadd.s32 $0x300, s0;
	(pc) =	sbr.rel @p0 .LBB2_26-.Ltmp16, $4  }
0x163: {  	[tilespmem:s17], [sflag:$0x3] =	stream.indirect.gather [hbm4b:s4+s11], $0x40, s0, s11, $0xb8;
	[tilespmem:$0x16C00] =	vst v63  }
0x164: {  	_ =	swait.ge [sflag:s29], $0x2000  }
0x165: {  	[sflag:s29] =	ssyncset.done $0x0  }
0x166: {  	[sflag:s29] =	ssyncadd.s32 $0xFFFFE000  }
.LBB2_25:
0x167: {  	_ =	swait.ge [sflag:s30], $0x2000  }
0x168: {  	[sflag:s30] =	ssyncset.done $0x0  }
0x169: {  	[sflag:s30] =	ssyncadd.s32 $0xFFFFE000  }
.LBB2_26:
0x16a: {  	s0 =	simm.s32 $0x0;
	s5 =	simm.s32 $0xC400  }
0x16b: {  	v4 =	vmov s0;
	v5 =	vld [tilespmem:s5+$0x0]  }
0x16c: {  	v4 =	vand.u32 $0x7F, v4  }
0x16d: {  	v6 =	vadd.s32 v0, v4;
	_ =	sdelay $0x2  }
0x16e: {  	v5 =	vmul.f32 $8.000000000e+00, v5;
	_ =	sdelay $0x1  }
0x16f: {  	[tilespmem:v6+s31+$0x0] =	vst.idx.msk $0xffff, v5  }
0x170: {  	v5 =	vld [tilespmem:s5+$0x10];
	_ =	sdelay $0x1  }
0x171: {  	v6 =	vadd.s32 v1, v4;
	_ =	sdelay $0x2  }
0x172: {  	v5 =	vmul.f32 $8.000000000e+00, v5;
	_ =	sdelay $0x1  }
0x173: {  	[tilespmem:v6+s31+$0x0] =	vst.idx.msk $0xffff, v5  }
0x174: {  	v5 =	vld [tilespmem:s5+$0x20];
	_ =	sdelay $0x1  }
0x175: {  	v6 =	vadd.s32 v2, v4;
	_ =	sdelay $0x2  }
0x176: {  	v5 =	vmul.f32 $8.000000000e+00, v5;
	_ =	sdelay $0x1  }
0x177: {  	[tilespmem:v6+s31+$0x0] =	vst.idx.msk $0xffff, v5  }
0x178: {  	v5 =	vld [tilespmem:s5+$0x30];
	_ =	sdelay $0x1  }
0x179: {  	v4 =	vadd.s32 v3, v4;
	_ =	sdelay $0x2  }
0x17a: {  	s10 =	simm.s32 $0x1;
	v5 =	vmul.f32 $8.000000000e+00, v5  }
.LBB2_27:
0x17b: {  	p0 =	sne.s32 s10, $0x7F  }
0x17c: {  	s5 =	sadd.s32 $0x40, s5;
	s0 =	smov.u32 s10;
	s10 =	sadd.s32 $0x1, s10;
	[tilespmem:v4+s31+$0x0] =	vst.idx.msk $0xffff, v5  }
0x17d: {  	v4 =	vmov s0;
	v5 =	vld [tilespmem:s5+$0x0]  }
0x17e: {  	v4 =	vand.u32 $0x7F, v4  }
0x17f: {  	v6 =	vadd.s32 v0, v4;
	_ =	sdelay $0x2  }
0x180: {  	v5 =	vmul.f32 $8.000000000e+00, v5;
	_ =	sdelay $0x1  }
0x181: {  	[tilespmem:v6+s31+$0x0] =	vst.idx.msk $0xffff, v5  }
0x182: {  	v5 =	vld [tilespmem:s5+$0x10];
	_ =	sdelay $0x1  }
0x183: {  	v6 =	vadd.s32 v1, v4;
	_ =	sdelay $0x2  }
0x184: {  	v5 =	vmul.f32 $8.000000000e+00, v5;
	_ =	sdelay $0x1  }
0x185: {  	[tilespmem:v6+s31+$0x0] =	vst.idx.msk $0xffff, v5  }
0x186: {  	v5 =	vld [tilespmem:s5+$0x20];
	_ =	sdelay $0x1  }
0x187: {  	v6 =	vadd.s32 v2, v4;
	_ =	sdelay $0x2  }
0x188: {  	v5 =	vmul.f32 $8.000000000e+00, v5;
	_ =	sdelay $0x1  }
0x189: {  	[tilespmem:v6+s31+$0x0] =	vst.idx.msk $0xffff, v5  }
0x18a: {  	v5 =	vld [tilespmem:s5+$0x30]  }
.Ltmp17:
0x18b: {  	(pc) =	sbr.rel @p0 .LBB2_27-.Ltmp17, $2  }
0x18c: {  	v4 =	vadd.s32 v3, v4;
	_ =	sdelay $0x2  }
0x18d: {  	v5 =	vmul.f32 $8.000000000e+00, v5  }
0x18e: {  	_ =	sdelay $0x3  }
0x18f: {  	s10 =	sadd.s32 s18, s9;
	s0 =	simm.s32 $0x14A00;
	[tilespmem:v4+s31+$0x0] =	vst.idx.msk $0xffff, v5  }
0x190: {  	[hbm4b:s10+s3] =	stream.linear.scatter [tilespmem:s0], [sflag:$0x8], $0x80, $0x38;
	[tilespmem:$0x16C00] =	vst v63  }
0x191: {  	s13 =	simm.s32 $0x14A88;
	s1 =	sadd.s32 $0x10, s10  }
0x192: {  	[hbm4b:s1+s3] =	stream.linear.scatter [tilespmem:s13], [sflag:$0x8], $0x80, $0x38;
	[tilespmem:$0x16C00] =	vst v63  }
0x193: {  	s14 =	simm.s32 $0x14B10;
	s5 =	simm.s32 $0x14B98;
	s18 =	sadd.s32 $0x20, s10  }
0x194: {  	[hbm4b:s18+s3] =	stream.linear.scatter [tilespmem:s14], [sflag:$0x8], $0x80, $0x38;
	[tilespmem:$0x16C00] =	vst v63  }
0x195: {  	s0 =	sadd.s32 $0x70, s10;
	s13 =	sadd.s32 $0x30, s10;
	s1 =	simm.s32 $0x14DB8  }
0x196: {  	[hbm4b:s13+s3] =	stream.linear.scatter [tilespmem:s5], [sflag:$0x8], $0x80, $0x38;
	[tilespmem:$0x16C00] =	vst v63  }
0x197: {  	s14 =	simm.s32 $0x14C20;
	s18 =	sadd.s32 $0x40, s10;
	s5 =	simm.s32 $0x14CA8  }
0x198: {  	[hbm4b:s18+s3] =	stream.linear.scatter [tilespmem:s14], [sflag:$0x8], $0x80, $0x38;
	[tilespmem:$0x16C00] =	vst v63  }
0x199: {  	s13 =	sadd.s32 $0x50, s10;
	s14 =	simm.s32 $0x14D30;
	s18 =	sadd.s32 $0x60, s10  }
0x19a: {  	[hbm4b:s13+s3] =	stream.linear.scatter [tilespmem:s5], [sflag:$0x8], $0x80, $0x38;
	[tilespmem:$0x16C00] =	vst v63  }
0x19b: {  	s10 =	sadd.s32 $0x1000, s10;
	s5 =	simm.s32 $0x440;
	s13 =	simm.s32 $0x2200  }
0x19c: {  	[hbm4b:s18+s3] =	stream.linear.scatter [tilespmem:s14], [sflag:$0x8], $0x80, $0x38;
	[tilespmem:$0x16C00] =	vst v63  }
.LBB2_29:
0x19d: {  	[hbm4b:s0+s3] =	stream.linear.scatter [tilespmem:s1], [sflag:$0x8], $0x80, $0x38;
	[tilespmem:$0x16C00] =	vst v63  }
0x19e: {  	s0 =	smov.u32 s5;
	s1 =	smov.u32 s13  }
0x19f: {  	s14 =	sadd.s32 $0x1100, s13;
	s5 =	sshra.s32 s1, $0x2;
	s1 =	sadd.s32 $0x14A00, s0  }
0x1a0: {  	[hbm4b:s10+s3] =	stream.linear.scatter [tilespmem:s1], [sflag:$0x8], $0x80, $0x38;
	[tilespmem:$0x16C00] =	vst v63  }
0x1a1: {  	p0 =	sne.s32 s13, $0x7700;
	s13 =	sadd.s32 $0x10, s10;
	s1 =	sadd.s32 $0x14A88, s0  }
0x1a2: {  	[hbm4b:s13+s3] =	stream.linear.scatter [tilespmem:s1], [sflag:$0x8], $0x80, $0x38;
	[tilespmem:$0x16C00] =	vst v63  }
0x1a3: {  	s1 =	sadd.s32 $0x14B10, s0;
	s13 =	sadd.s32 $0x20, s10  }
0x1a4: {  	[hbm4b:s13+s3] =	stream.linear.scatter [tilespmem:s1], [sflag:$0x8], $0x80, $0x38;
	[tilespmem:$0x16C00] =	vst v63  }
0x1a5: {  	s1 =	sadd.s32 $0x14B98, s0;
	s13 =	sadd.s32 $0x30, s10  }
0x1a6: {  	[hbm4b:s13+s3] =	stream.linear.scatter [tilespmem:s1], [sflag:$0x8], $0x80, $0x38;
	[tilespmem:$0x16C00] =	vst v63  }
0x1a7: {  	s1 =	sadd.s32 $0x14C20, s0;
	s13 =	sadd.s32 $0x40, s10  }
0x1a8: {  	[hbm4b:s13+s3] =	stream.linear.scatter [tilespmem:s1], [sflag:$0x8], $0x80, $0x38;
	[tilespmem:$0x16C00] =	vst v63  }
0x1a9: {  	s1 =	sadd.s32 $0x14CA8, s0;
	s13 =	sadd.s32 $0x50, s10  }
0x1aa: {  	[hbm4b:s13+s3] =	stream.linear.scatter [tilespmem:s1], [sflag:$0x8], $0x80, $0x38;
	[tilespmem:$0x16C00] =	vst v63  }
.Ltmp18:
0x1ab: {  	_ = 	snop;
	(pc) =	sbr.rel @p0 .LBB2_29-.Ltmp18, $4  }
0x1ac: {  	s1 =	sadd.s32 $0x14D30, s0;
	s13 =	sadd.s32 $0x60, s10  }
0x1ad: {  	[hbm4b:s13+s3] =	stream.linear.scatter [tilespmem:s1], [sflag:$0x8], $0x80, $0x38;
	[tilespmem:$0x16C00] =	vst v63  }
0x1ae: {  	s1 =	sadd.s32 $0x14DB8, s0  }
0x1af: {  	s0 =	sadd.s32 $0x70, s10;
	s10 =	sadd.s32 $0x1000, s10;
	s13 =	smov.u32 s14  }
0x1b0: {  	[hbm4b:s0+s3] =	stream.linear.scatter [tilespmem:s1], [sflag:$0x8], $0x80, $0x38;
	[tilespmem:$0x16C00] =	vst v63  }
0x1b1: {  	s13 =	sadd.s32 $0x14A00, s5  }
0x1b2: {  	[hbm4b:s10+s3] =	stream.linear.scatter [tilespmem:s13], [sflag:$0x8], $0x80, $0x38;
	[tilespmem:$0x16C00] =	vst v63  }
0x1b3: {  	s14 =	sadd.s32 $0x14A88, s5;
	s18 =	sadd.s32 $0x10, s10  }
0x1b4: {  	[hbm4b:s18+s3] =	stream.linear.scatter [tilespmem:s14], [sflag:$0x8], $0x80, $0x38;
	[tilespmem:$0x16C00] =	vst v63  }
0x1b5: {  	s1 =	sadd.s32 $0x14B10, s5;
	s13 =	sadd.s32 $0x20, s10  }
0x1b6: {  	[hbm4b:s13+s3] =	stream.linear.scatter [tilespmem:s1], [sflag:$0x8], $0x80, $0x38;
	[tilespmem:$0x16C00] =	vst v63  }
0x1b7: {  	s14 =	sadd.s32 $0x14B98, s5;
	s18 =	sadd.s32 $0x30, s10  }
0x1b8: {  	[hbm4b:s18+s3] =	stream.linear.scatter [tilespmem:s14], [sflag:$0x8], $0x80, $0x38;
	[tilespmem:$0x16C00] =	vst v63  }
0x1b9: {  	s1 =	sadd.s32 $0x14C20, s5;
	s13 =	sadd.s32 $0x40, s10  }
0x1ba: {  	[hbm4b:s13+s3] =	stream.linear.scatter [tilespmem:s1], [sflag:$0x8], $0x80, $0x38;
	[tilespmem:$0x16C00] =	vst v63  }
0x1bb: {  	p0 =	seq.s32 s12, $0x31;
	s14 =	sadd.s32 $0x14CA8, s5;
	s18 =	sadd.s32 $0x50, s10  }
0x1bc: {  	[hbm4b:s18+s3] =	stream.linear.scatter [tilespmem:s14], [sflag:$0x8], $0x80, $0x38;
	[tilespmem:$0x16C00] =	vst v63  }
.Ltmp19:
0x1bd: {  	_ = 	snop;
	(pc) =	sbr.rel @p0 .LBB2_32-.Ltmp19, $4  }
0x1be: {  	s1 =	sadd.s32 $0x14D30, s5;
	s13 =	sadd.s32 $0x60, s10  }
0x1bf: {  	[hbm4b:s13+s3] =	stream.linear.scatter [tilespmem:s1], [sflag:$0x8], $0x80, $0x38;
	[tilespmem:$0x16C00] =	vst v63  }
0x1c0: {  	s14 =	sadd.s32 $0x14DB8, s5;
	s18 =	sadd.s32 $0x70, s10  }
0x1c1: {  	[hbm4b:s18+s3] =	stream.linear.scatter [tilespmem:s14], [sflag:$0x8], $0x80, $0x38;
	[tilespmem:$0x16C00] =	vst v63  }
.Ltmp20:
0x1c2: {  	(pc) =	sbr.rel .LBB2_2-.Ltmp20, $4  }
0x1c3: {  	_ = 	snop  }
0x1c4: {  	s0 =	sshrl.u32 s16, $0x2  }
0x1c5: {  	s12 =	sadd.s32 $0x1, s12;
	s0 =	sadd.s32 $0x380, s0  }
0x1c6: {  	[tilespmem:s19], [sflag:$0x4] =	stream.indirect.gather [hbm4b:s4+s11], $0x40, s0, s11, $0xb8;
	[tilespmem:$0x16C00] =	vst v63  }
.LBB2_33:
0x1c7: {  	_ =	sfence.sel $0x180000  }
0x1c8: {  	[bflag:$0x0] =	sbarrier.arrive $0xFFFF  }
0x1c9: {  	_ =	strace $0x90000047  }
0x1ca: {  	s0 =	stileid.u32;
	[bflag:$0x2] =	sbarrier.arrive $0xFFFF  }
0x1cb: {  	p0 =	sne.s32 s0, $0x0;
	s0 =	rddreg [dreg:$0x2]  }
0x1cc: {  	s0 =	sadd.s32 @!p0 $0x100000, s0  }
0x1cd: {  	[sflag:s0] =	ssyncadd.tile.s32 @!p0 $0x1;
	_ =	shalt  }
.Lfunc_end2:
_tile_overlayer_lowered:
.L_overlay_start_2:
0x1ce: {  	(tag) =	ssettag $0x2  }
0x1cf: {  	s0 =	rddreg [dreg:$0x0];
	s2 =	stileid.u32  }
0x1d0: {  	s1 =	rddreg [dreg:$0x1];
	p0 =	sne.s32 s2, $0x0  }
0x1d1: {  	s3 =	rddreg [dreg:$0x2];
	[bflag:$0x3] =	sbarrier.arrive $0xFFFF;
	s2 =	simm.s32 @!p0 $0x1C09  }
0x1d2: {  	[timem:s3], [sflag:s2] =	dma.local @!p0 [hbm:s0], s1  }
0x1d3: {  	s0 =	simm.s32 @!p0 $0x9  }
0x1d4: {  	_ =	swait.ge @!p0 [sflag:s0], s1  }
0x1d5: {  	s1 =	ssub.s32 @!p0 $0x0, s1;
	[sflag:s0] =	ssyncset.done @!p0 $0x0  }
0x1d6: {  	[sflag:s0] =	ssyncadd.s32 @!p0 s1  }
0x1d7: {  	[bflag:$0x3] =	sbarrier.arrive $0xFFFF  }
0x1d8: {  	_ =	shalt  }

</sc_bundles>
